<compile_context>
chip_gen: v7x
topology: tpu7x:2x2x1
jax: 0.10.2.dev20260603
libtpu: 0.0.44.dev20260713+nightly
codegen_flags: <defaults>
</compile_context>

<pallas_src>
import functools
import math

import jax
import jax.numpy as jnp
from jax import lax
from jax.experimental import pallas as pl
from jax.experimental.pallas import tpu as pltpu
from jax.experimental.pallas import tpu_sc as plsc

D_MODEL = 128
SCALE = math.sqrt(D_MODEL)

NC = 2
NS = 16
NW = NC * NS

ROWS_PER_CHUNK = 128

NSLOT = 2
P = 2
LAGP = 1


def _make_gather(n_rows):
    chunks_total = n_rows // ROWS_PER_CHUNK
    cpw = chunks_total // NW
    npair = cpw // P
    assert cpw % P == 0 and npair % NSLOT == 0
    mesh = plsc.VectorSubcoreMesh(core_axis_name="c", subcore_axis_name="s")

    @functools.partial(
        pl.kernel,
        out_type=jax.ShapeDtypeStruct((n_rows, D_MODEL), jnp.float32),
        mesh=mesh,
        scratch_types=[
            pltpu.VMEM((cpw, ROWS_PER_CHUNK), jnp.int32),
            pltpu.VMEM((NSLOT, P * ROWS_PER_CHUNK, D_MODEL), jnp.float32),
            [[pltpu.SemaphoreType.DMA] * P] * NSLOT,
            [pltpu.SemaphoreType.DMA] * NSLOT,
        ],
    )
    def gather(table_hbm, idx_hbm, out_hbm, idx_v, rows_v, gsems, psems):
        wid = lax.axis_index("s") * NC + lax.axis_index("c")
        pltpu.sync_copy(idx_hbm.at[pl.ds(wid * cpw, cpw)], idx_v)
        base = wid * cpw

        def start_gathers(p, sl):
            for h in range(P):
                pltpu.async_copy(
                    table_hbm.at[idx_v.at[p * P + h]],
                    rows_v.at[sl, pl.ds(h * ROWS_PER_CHUNK, ROWS_PER_CHUNK)],
                    gsems[sl][h],
                )

        def wait_gathers(sl):
            for h in range(P):
                pltpu.make_async_copy(
                    table_hbm.at[pl.ds(0, ROWS_PER_CHUNK)],
                    rows_v.at[sl, pl.ds(h * ROWS_PER_CHUNK, ROWS_PER_CHUNK)],
                    gsems[sl][h],
                ).wait()

        def start_put(p, sl):
            row0 = (base + p * P) * ROWS_PER_CHUNK
            pltpu.async_copy(
                rows_v.at[sl],
                out_hbm.at[pl.ds(row0, P * ROWS_PER_CHUNK)],
                psems[sl],
            )

        def wait_put(sl):
            pltpu.make_async_copy(
                rows_v.at[sl],
                out_hbm.at[pl.ds(0, P * ROWS_PER_CHUNK)],
                psems[sl],
            ).wait()

        def scale_slot(sl):
            @plsc.parallel_loop(0, P * ROWS_PER_CHUNK, step=1, unroll=4)
            def _(r):
                for c in range(D_MODEL // 16):
                    v = rows_v[sl, r, pl.ds(c * 16, 16)]
                    rows_v[sl, r, pl.ds(c * 16, 16)] = v * SCALE

        def super_body(pp, carry):
            for u in range(NSLOT):
                p = pp * NSLOT + u

                @pl.when(p >= NSLOT)
                def _():
                    wait_put(u)

                start_gathers(p, u)
                u2 = (u - LAGP) % NSLOT

                @pl.when(p >= LAGP)
                def _():
                    wait_gathers(u2)
                    scale_slot(u2)
                    start_put(p - LAGP, u2)

            return carry

        lax.fori_loop(0, npair // NSLOT, super_body, 0)
        for t in range(LAGP):
            p2 = npair - LAGP + t
            sl2 = p2 % NSLOT
            wait_gathers(sl2)
            scale_slot(sl2)
            start_put(p2, sl2)
        for sl in range(NSLOT):
            wait_put(sl)

    return gather


@jax.jit
def kernel(x, table):
    n_rows = x.size
    xf = x.reshape(n_rows // ROWS_PER_CHUNK, ROWS_PER_CHUNK).astype(jnp.int32)
    out = _make_gather(n_rows)(table, xf)
    return out.reshape(x.shape + (D_MODEL,))

# --- scband reference (transcript-rebuilt; emitter-appended) ---
"""Pipeline reference for scband-input-embeddings-6433861009883 (READ-ONLY COPY).

The authoritative reference and input builder live on the scoring server;
editing this copy changes nothing except your own understanding.
"""

import jax, jax.numpy as jnp
import numpy as np
import math

VOCAB_SIZE = 100000
D_MODEL = 128

def setup_inputs(seed: int = 0) -> dict:
    key = jax.random.key(seed)
    k_idx, k_tab = jax.random.split(key)
    x = jax.random.randint(k_idx, (4096, 200), 0, VOCAB_SIZE, dtype=jnp.int64 if jax.config.jax_enable_x64 else jnp.int32)
    table = jax.random.normal(k_tab, (VOCAB_SIZE, D_MODEL), dtype=jnp.float32)
    return {"x": x, "table": table}

def reference(x, table):
    # nn.Embedding lookup followed by sqrt(d_model) scaling
    emb = jnp.take(table, x, axis=0)
    return emb * math.sqrt(D_MODEL)

if __name__ == "__main__":
    import jax
    _d = setup_inputs()
    print(jax.jit(kernel)(*tuple(_d.values())))

</pallas_src>

<mosaic_0001>
#map = affine_map<(d0, d1) -> (0, 0)>
module attributes {stable_mosaic.version = 14 : i64} {
  func.func @gather(%arg0: i32, %arg1: i32, %arg2: memref<100000x128xf32, #tpu.memory_space<hbm>>, %arg3: memref<6400x128xi32, #tpu.memory_space<hbm>>, %arg4: memref<819200x128xf32, #tpu.memory_space<hbm>>, %arg5: memref<200x128xi32, #tpu.memory_space<vmem>>, %arg6: memref<2x256x128xf32, #tpu.memory_space<vmem>>, %arg7: memref<!tpu.dma_semaphore, #tpu.memory_space<semaphore_mem>>, %arg8: memref<!tpu.dma_semaphore, #tpu.memory_space<semaphore_mem>>, %arg9: memref<!tpu.dma_semaphore, #tpu.memory_space<semaphore_mem>>, %arg10: memref<!tpu.dma_semaphore, #tpu.memory_space<semaphore_mem>>, %arg11: memref<!tpu.dma_semaphore, #tpu.memory_space<semaphore_mem>>, %arg12: memref<!tpu.dma_semaphore, #tpu.memory_space<semaphore_mem>>) attributes {dimension_semantics = [#tpu.dimension_semantics<core_parallel>, #tpu.dimension_semantics<subcore_parallel>], iteration_bounds = array<i64: 2, 16>, scalar_prefetch = 0 : i64, scratch_operands = 8 : i64, tpu.core_type = #tpu.core_type<sc_vector_subcore>, window_params = [{transform_indices = #map}, {transform_indices = #map}, {transform_indices = #map}]} {
    %mul3A = arith.constant 2 : i32
    %mul3A_0 = arith.muli %arg1, %mul3A : i32
    %add3A = arith.addi %mul3A_0, %arg0 : i32
    %mul3A_1 = arith.constant 200 : i32
    %mul3A_2 = arith.muli %add3A, %mul3A_1 : i32
    "tpu.region"() ({
      %run_scoped3A = tpu.sem_alloc : memref<!tpu.dma_semaphore, #tpu.memory_space<semaphore_mem>>
      %dma_start3A_87 = arith.constant 0 : i32
      %dma_start3A_88 = tpu.memref_slice %arg3[%mul3A_2, %dma_start3A_87] : memref<6400x128xi32, #tpu.memory_space<hbm>> -> memref<200x128xi32, #tpu.memory_space<hbm>>
      %dma_start3A_89 = arith.constant 0 : i32
      %dma_start3A_90 = tpu.memref_slice %arg3[%mul3A_2, %dma_start3A_89] : memref<6400x128xi32, #tpu.memory_space<hbm>> -> memref<200x128xi32, #tpu.memory_space<hbm>>
      tpu.enqueue_dma source(%dma_start3A_90 : memref<200x128xi32, #tpu.memory_space<hbm>>) target(%arg5 : memref<200x128xi32, #tpu.memory_space<vmem>>) target_semaphore(%run_scoped3A : memref<!tpu.dma_semaphore, #tpu.memory_space<semaphore_mem>>)
      %dma_wait3A_91 = arith.constant 0 : i32
      %dma_wait3A_92 = tpu.memref_slice %arg3[%mul3A_2, %dma_wait3A_91] : memref<6400x128xi32, #tpu.memory_space<hbm>> -> memref<200x128xi32, #tpu.memory_space<hbm>>
      %dma_wait3A_93 = arith.constant 0 : i32
      %dma_wait3A_94 = tpu.memref_slice %arg3[%mul3A_2, %dma_wait3A_93] : memref<6400x128xi32, #tpu.memory_space<hbm>> -> memref<200x128xi32, #tpu.memory_space<hbm>>
      tpu.wait_dma2 semaphore(%run_scoped3A : memref<!tpu.dma_semaphore, #tpu.memory_space<semaphore_mem>>) src(%dma_wait3A_94 : memref<200x128xi32, #tpu.memory_space<hbm>>) dst(%arg5 : memref<200x128xi32, #tpu.memory_space<vmem>>)
      tpu.yield
    }) : () -> ()
    %mul3A_3 = arith.constant 200 : i32
    %mul3A_4 = arith.muli %add3A, %mul3A_3 : i32
    %scan3A = arith.constant 0 : i32
    %scan3A_5 = arith.constant 0 : i32
    %scan3A_6 = arith.constant 50 : i32
    %scan3A_7 = arith.addi %scan3A_5, %scan3A_6 : i32
    %scan3A_8 = arith.constant 1 : i32
    scf.for %scan3A_87 = %scan3A_5 to %scan3A_7 step %scan3A_8  : i32 {
      %mul3A_88 = arith.constant 2 : i32
      %mul3A_89 = arith.muli %scan3A_87, %mul3A_88 : i32
      %add3A_90 = arith.constant 0 : i32
      %add3A_91 = arith.addi %mul3A_89, %add3A_90 : i32
      %ge3A = arith.constant 2 : i32
      %ge3A_92 = arith.cmpi sge, %add3A_91, %ge3A : i32
      %convert_element_type3A = arith.extui %ge3A_92 : i1 to i32
      %cond3A = arith.constant 0 : i32
      %cond3A_93 = arith.cmpi ne, %convert_element_type3A, %cond3A : i32
      scf.if %cond3A_93 {
        %dma_wait3A_173 = arith.constant 0 : i32
        %dma_wait3A_174 = arith.constant 0 : i32
        %dma_wait3A_175 = arith.constant 0 : i32
        %dma_wait3A_176 = tpu.memref_slice %arg6[%dma_wait3A_173, %dma_wait3A_174, %dma_wait3A_175] : memref<2x256x128xf32, #tpu.memory_space<vmem>> -> memref<1x256x128xf32, #tpu.memory_space<vmem>>
        %dma_wait3A_177 = tpu.memref_squeeze %dma_wait3A_176 : memref<1x256x128xf32, #tpu.memory_space<vmem>> -> memref<256x128xf32, #tpu.memory_space<vmem>>
        %dma_wait3A_178 = arith.constant 0 : i32
        %dma_wait3A_179 = arith.constant 0 : i32
        %dma_wait3A_180 = tpu.memref_slice %arg4[%dma_wait3A_178, %dma_wait3A_179] : memref<819200x128xf32, #tpu.memory_space<hbm>> -> memref<256x128xf32, #tpu.memory_space<hbm>>
        %dma_wait3A_181 = arith.constant 0 : i32
        %dma_wait3A_182 = arith.constant 0 : i32
        %dma_wait3A_183 = tpu.memref_slice %arg4[%dma_wait3A_181, %dma_wait3A_182] : memref<819200x128xf32, #tpu.memory_space<hbm>> -> memref<256x128xf32, #tpu.memory_space<hbm>>
        %dma_wait3A_184 = arith.constant 0 : i32
        %dma_wait3A_185 = arith.constant 0 : i32
        %dma_wait3A_186 = tpu.memref_slice %arg6[%dma_wait3A_173, %dma_wait3A_184, %dma_wait3A_185] : memref<2x256x128xf32, #tpu.memory_space<vmem>> -> memref<1x256x128xf32, #tpu.memory_space<vmem>>
        %dma_wait3A_187 = tpu.memref_squeeze %dma_wait3A_186 : memref<1x256x128xf32, #tpu.memory_space<vmem>> -> memref<256x128xf32, #tpu.memory_space<vmem>>
        tpu.wait_dma2 semaphore(%arg11 : memref<!tpu.dma_semaphore, #tpu.memory_space<semaphore_mem>>) src(%dma_wait3A_187 : memref<256x128xf32, #tpu.memory_space<vmem>>) dst(%dma_wait3A_183 : memref<256x128xf32, #tpu.memory_space<hbm>>)
      } else {
      }
      %mul3A_94 = arith.constant 2 : i32
      %mul3A_95 = arith.muli %add3A_91, %mul3A_94 : i32
      %add3A_96 = arith.constant 0 : i32
      %add3A_97 = arith.addi %mul3A_95, %add3A_96 : i32
      %dma_start3A_98 = arith.constant 0 : i32
      %dma_start3A_99 = arith.constant 0 : i32
      %dma_start3A_100 = arith.constant 0 : i32
      %dma_start3A_101 = tpu.memref_slice %arg6[%dma_start3A_98, %dma_start3A_99, %dma_start3A_100] : memref<2x256x128xf32, #tpu.memory_space<vmem>> -> memref<1x128x128xf32, #tpu.memory_space<vmem>>
      %dma_start3A_102 = tpu.memref_squeeze %dma_start3A_101 : memref<1x128x128xf32, #tpu.memory_space<vmem>> -> memref<128x128xf32, #tpu.memory_space<vmem>>
      %dma_start3A_103 = arith.constant 0 : i32
      %dma_start3A_104 = tpu.memref_slice %arg5[%add3A_97, %dma_start3A_103] : memref<200x128xi32, #tpu.memory_space<vmem>> -> memref<1x128xi32, #tpu.memory_space<vmem>>
      %dma_start3A_105 = tpu.memref_squeeze %dma_start3A_104 : memref<1x128xi32, #tpu.memory_space<vmem>> -> memref<128xi32, #tpu.memory_space<vmem>>
      %dma_start3A_106 = arith.constant 0 : i32
      %dma_start3A_107 = arith.constant 0 : i32
      %dma_start3A_108 = tpu.memref_slice %arg2[%dma_start3A_106, %dma_start3A_107] : memref<100000x128xf32, #tpu.memory_space<hbm>> -> memref<100000x128xf32, #tpu.memory_space<hbm>>
      tpu.enqueue_indirect_dma source(%dma_start3A_108 : memref<100000x128xf32, #tpu.memory_space<hbm>>) target(%dma_start3A_102 : memref<128x128xf32, #tpu.memory_space<vmem>>) offsets(%dma_start3A_105 : memref<128xi32, #tpu.memory_space<vmem>>) semaphore(%arg7 : memref<!tpu.dma_semaphore, #tpu.memory_space<semaphore_mem>>)
      %mul3A_109 = arith.constant 2 : i32
      %mul3A_110 = arith.muli %add3A_91, %mul3A_109 : i32
      %add3A_111 = arith.constant 1 : i32
      %add3A_112 = arith.addi %mul3A_110, %add3A_111 : i32
      %dma_start3A_113 = arith.constant 0 : i32
      %dma_start3A_114 = arith.constant 128 : i32
      %dma_start3A_115 = arith.constant 0 : i32
      %dma_start3A_116 = tpu.memref_slice %arg6[%dma_start3A_113, %dma_start3A_114, %dma_start3A_115] : memref<2x256x128xf32, #tpu.memory_space<vmem>> -> memref<1x128x128xf32, #tpu.memory_space<vmem>>
      %dma_start3A_117 = tpu.memref_squeeze %dma_start3A_116 : memref<1x128x128xf32, #tpu.memory_space<vmem>> -> memref<128x128xf32, #tpu.memory_space<vmem>>
      %dma_start3A_118 = arith.constant 0 : i32
      %dma_start3A_119 = tpu.memref_slice %arg5[%add3A_112, %dma_start3A_118] : memref<200x128xi32, #tpu.memory_space<vmem>> -> memref<1x128xi32, #tpu.memory_space<vmem>>
      %dma_start3A_120 = tpu.memref_squeeze %dma_start3A_119 : memref<1x128xi32, #tpu.memory_space<vmem>> -> memref<128xi32, #tpu.memory_space<vmem>>
      %dma_start3A_121 = arith.constant 0 : i32
      %dma_start3A_122 = arith.constant 0 : i32
      %dma_start3A_123 = tpu.memref_slice %arg2[%dma_start3A_121, %dma_start3A_122] : memref<100000x128xf32, #tpu.memory_space<hbm>> -> memref<100000x128xf32, #tpu.memory_space<hbm>>
      tpu.enqueue_indirect_dma source(%dma_start3A_123 : memref<100000x128xf32, #tpu.memory_space<hbm>>) target(%dma_start3A_117 : memref<128x128xf32, #tpu.memory_space<vmem>>) offsets(%dma_start3A_120 : memref<128xi32, #tpu.memory_space<vmem>>) semaphore(%arg8 : memref<!tpu.dma_semaphore, #tpu.memory_space<semaphore_mem>>)
      %ge3A_124 = arith.constant 1 : i32
      %ge3A_125 = arith.cmpi sge, %add3A_91, %ge3A_124 : i32
      %convert_element_type3A_126 = arith.extui %ge3A_125 : i1 to i32
      %cond3A_127 = arith.constant 0 : i32
      %cond3A_128 = arith.cmpi ne, %convert_element_type3A_126, %cond3A_127 : i32
      scf.if %cond3A_128 {
        %dma_wait3A_173 = arith.constant 1 : i32
        %dma_wait3A_174 = arith.constant 0 : i32
        %dma_wait3A_175 = arith.constant 0 : i32
        %dma_wait3A_176 = tpu.memref_slice %arg6[%dma_wait3A_173, %dma_wait3A_174, %dma_wait3A_175] : memref<2x256x128xf32, #tpu.memory_space<vmem>> -> memref<1x128x128xf32, #tpu.memory_space<vmem>>
        %dma_wait3A_177 = tpu.memref_squeeze %dma_wait3A_176 : memref<1x128x128xf32, #tpu.memory_space<vmem>> -> memref<128x128xf32, #tpu.memory_space<vmem>>
        %dma_wait3A_178 = arith.constant 0 : i32
        %dma_wait3A_179 = arith.constant 0 : i32
        %dma_wait3A_180 = tpu.memref_slice %arg2[%dma_wait3A_178, %dma_wait3A_179] : memref<100000x128xf32, #tpu.memory_space<hbm>> -> memref<128x128xf32, #tpu.memory_space<hbm>>
        %dma_wait3A_181 = arith.constant 0 : i32
        %dma_wait3A_182 = arith.constant 0 : i32
        %dma_wait3A_183 = tpu.memref_slice %arg6[%dma_wait3A_173, %dma_wait3A_181, %dma_wait3A_182] : memref<2x256x128xf32, #tpu.memory_space<vmem>> -> memref<1x128x128xf32, #tpu.memory_space<vmem>>
        %dma_wait3A_184 = tpu.memref_squeeze %dma_wait3A_183 : memref<1x128x128xf32, #tpu.memory_space<vmem>> -> memref<128x128xf32, #tpu.memory_space<vmem>>
        %dma_wait3A_185 = arith.constant 0 : i32
        %dma_wait3A_186 = arith.constant 0 : i32
        %dma_wait3A_187 = tpu.memref_slice %arg2[%dma_wait3A_185, %dma_wait3A_186] : memref<100000x128xf32, #tpu.memory_space<hbm>> -> memref<128x128xf32, #tpu.memory_space<hbm>>
        tpu.wait_dma2 semaphore(%arg9 : memref<!tpu.dma_semaphore, #tpu.memory_space<semaphore_mem>>) src(%dma_wait3A_187 : memref<128x128xf32, #tpu.memory_space<hbm>>) dst(%dma_wait3A_184 : memref<128x128xf32, #tpu.memory_space<vmem>>)
        %dma_wait3A_188 = arith.constant 1 : i32
        %dma_wait3A_189 = arith.constant 128 : i32
        %dma_wait3A_190 = arith.constant 0 : i32
        %dma_wait3A_191 = tpu.memref_slice %arg6[%dma_wait3A_188, %dma_wait3A_189, %dma_wait3A_190] : memref<2x256x128xf32, #tpu.memory_space<vmem>> -> memref<1x128x128xf32, #tpu.memory_space<vmem>>
        %dma_wait3A_192 = tpu.memref_squeeze %dma_wait3A_191 : memref<1x128x128xf32, #tpu.memory_space<vmem>> -> memref<128x128xf32, #tpu.memory_space<vmem>>
        %dma_wait3A_193 = arith.constant 0 : i32
        %dma_wait3A_194 = arith.constant 0 : i32
        %dma_wait3A_195 = tpu.memref_slice %arg2[%dma_wait3A_193, %dma_wait3A_194] : memref<100000x128xf32, #tpu.memory_space<hbm>> -> memref<128x128xf32, #tpu.memory_space<hbm>>
        %dma_wait3A_196 = arith.constant 128 : i32
        %dma_wait3A_197 = arith.constant 0 : i32
        %dma_wait3A_198 = tpu.memref_slice %arg6[%dma_wait3A_188, %dma_wait3A_196, %dma_wait3A_197] : memref<2x256x128xf32, #tpu.memory_space<vmem>> -> memref<1x128x128xf32, #tpu.memory_space<vmem>>
        %dma_wait3A_199 = tpu.memref_squeeze %dma_wait3A_198 : memref<1x128x128xf32, #tpu.memory_space<vmem>> -> memref<128x128xf32, #tpu.memory_space<vmem>>
        %dma_wait3A_200 = arith.constant 0 : i32
        %dma_wait3A_201 = arith.constant 0 : i32
        %dma_wait3A_202 = tpu.memref_slice %arg2[%dma_wait3A_200, %dma_wait3A_201] : memref<100000x128xf32, #tpu.memory_space<hbm>> -> memref<128x128xf32, #tpu.memory_space<hbm>>
        tpu.wait_dma2 semaphore(%arg10 : memref<!tpu.dma_semaphore, #tpu.memory_space<semaphore_mem>>) src(%dma_wait3A_202 : memref<128x128xf32, #tpu.memory_space<hbm>>) dst(%dma_wait3A_199 : memref<128x128xf32, #tpu.memory_space<vmem>>)
        %parallel_loop3A_203 = arith.constant 0 : i32
        %parallel_loop3A_204 = arith.constant 256 : i32
        %parallel_loop3A_205 = arith.constant 1 : i32
        scf.for %parallel_loop3A_225 = %parallel_loop3A_203 to %parallel_loop3A_204 step %parallel_loop3A_205  : i32 {
          %parallel_loop3A_226 = arith.constant 1 : i32
          %parallel_loop3A_227 = arith.index_cast %parallel_loop3A_226 : i32 to index
          %parallel_loop3A_228 = arith.index_cast %parallel_loop3A_225 : i32 to index
          %parallel_loop3A_229 = arith.constant 0 : index
          %parallel_loop3A_230 = tpu.vector_load %arg6[%parallel_loop3A_227, %parallel_loop3A_228, %parallel_loop3A_229] {strides = array<i32>} : memref<2x256x128xf32, #tpu.memory_space<vmem>>, vector<1x1x16xf32>,
          %parallel_loop3A_231 = vector.shape_cast %parallel_loop3A_230 : vector<1x1x16xf32> to vector<16xf32>
          %parallel_loop3A_232 = arith.constant 11.3137083 : f32
          %parallel_loop3A_233 = vector.broadcast %parallel_loop3A_232 : f32 to vector<16xf32>
          %parallel_loop3A_234 = arith.mulf %parallel_loop3A_231, %parallel_loop3A_233 : vector<16xf32>
          %parallel_loop3A_235 = arith.constant 1 : i32
          %parallel_loop3A_236 = arith.index_cast %parallel_loop3A_235 : i32 to index
          %parallel_loop3A_237 = arith.index_cast %parallel_loop3A_225 : i32 to index
          %parallel_loop3A_238 = arith.constant 0 : index
          %parallel_loop3A_239 = tpu.vector_load %arg6[%parallel_loop3A_236, %parallel_loop3A_237, %parallel_loop3A_238] {strides = array<i32>} : memref<2x256x128xf32, #tpu.memory_space<vmem>>, vector<1x1x16xf32>,
          %parallel_loop3A_240 = vector.shape_cast %parallel_loop3A_239 : vector<1x1x16xf32> to vector<16xf32>
          %parallel_loop3A_241 = vector.shape_cast %parallel_loop3A_234 : vector<16xf32> to vector<1x1x16xf32>
          tpu.vector_store %arg6[%parallel_loop3A_236, %parallel_loop3A_237, %parallel_loop3A_238], %parallel_loop3A_241 {strides = array<i32>} : memref<2x256x128xf32, #tpu.memory_space<vmem>>, vector<1x1x16xf32>,
          %parallel_loop3A_242 = arith.constant 1 : i32
          %parallel_loop3A_243 = arith.index_cast %parallel_loop3A_242 : i32 to index
          %parallel_loop3A_244 = arith.index_cast %parallel_loop3A_225 : i32 to index
          %parallel_loop3A_245 = arith.constant 16 : index
          %parallel_loop3A_246 = tpu.vector_load %arg6[%parallel_loop3A_243, %parallel_loop3A_244, %parallel_loop3A_245] {strides = array<i32>} : memref<2x256x128xf32, #tpu.memory_space<vmem>>, vector<1x1x16xf32>,
          %parallel_loop3A_247 = vector.shape_cast %parallel_loop3A_246 : vector<1x1x16xf32> to vector<16xf32>
          %parallel_loop3A_248 = arith.constant 11.3137083 : f32
          %parallel_loop3A_249 = vector.broadcast %parallel_loop3A_248 : f32 to vector<16xf32>
          %parallel_loop3A_250 = arith.mulf %parallel_loop3A_247, %parallel_loop3A_249 : vector<16xf32>
          %parallel_loop3A_251 = arith.constant 1 : i32
          %parallel_loop3A_252 = arith.index_cast %parallel_loop3A_251 : i32 to index
          %parallel_loop3A_253 = arith.index_cast %parallel_loop3A_225 : i32 to index
          %parallel_loop3A_254 = arith.constant 16 : index
          %parallel_loop3A_255 = tpu.vector_load %arg6[%parallel_loop3A_252, %parallel_loop3A_253, %parallel_loop3A_254] {strides = array<i32>} : memref<2x256x128xf32, #tpu.memory_space<vmem>>, vector<1x1x16xf32>,
          %parallel_loop3A_256 = vector.shape_cast %parallel_loop3A_255 : vector<1x1x16xf32> to vector<16xf32>
          %parallel_loop3A_257 = vector.shape_cast %parallel_loop3A_250 : vector<16xf32> to vector<1x1x16xf32>
          tpu.vector_store %arg6[%parallel_loop3A_252, %parallel_loop3A_253, %parallel_loop3A_254], %parallel_loop3A_257 {strides = array<i32>} : memref<2x256x128xf32, #tpu.memory_space<vmem>>, vector<1x1x16xf32>,
          %parallel_loop3A_258 = arith.constant 1 : i32
          %parallel_loop3A_259 = arith.index_cast %parallel_loop3A_258 : i32 to index
          %parallel_loop3A_260 = arith.index_cast %parallel_loop3A_225 : i32 to index
          %parallel_loop3A_261 = arith.constant 32 : index
          %parallel_loop3A_262 = tpu.vector_load %arg6[%parallel_loop3A_259, %parallel_loop3A_260, %parallel_loop3A_261] {strides = array<i32>} : memref<2x256x128xf32, #tpu.memory_space<vmem>>, vector<1x1x16xf32>,
          %parallel_loop3A_263 = vector.shape_cast %parallel_loop3A_262 : vector<1x1x16xf32> to vector<16xf32>
          %parallel_loop3A_264 = arith.constant 11.3137083 : f32
          %parallel_loop3A_265 = vector.broadcast %parallel_loop3A_264 : f32 to vector<16xf32>
          %parallel_loop3A_266 = arith.mulf %parallel_loop3A_263, %parallel_loop3A_265 : vector<16xf32>
          %parallel_loop3A_267 = arith.constant 1 : i32
          %parallel_loop3A_268 = arith.index_cast %parallel_loop3A_267 : i32 to index
          %parallel_loop3A_269 = arith.index_cast %parallel_loop3A_225 : i32 to index
          %parallel_loop3A_270 = arith.constant 32 : index
          %parallel_loop3A_271 = tpu.vector_load %arg6[%parallel_loop3A_268, %parallel_loop3A_269, %parallel_loop3A_270] {strides = array<i32>} : memref<2x256x128xf32, #tpu.memory_space<vmem>>, vector<1x1x16xf32>,
          %parallel_loop3A_272 = vector.shape_cast %parallel_loop3A_271 : vector<1x1x16xf32> to vector<16xf32>
          %parallel_loop3A_273 = vector.shape_cast %parallel_loop3A_266 : vector<16xf32> to vector<1x1x16xf32>
          tpu.vector_store %arg6[%parallel_loop3A_268, %parallel_loop3A_269, %parallel_loop3A_270], %parallel_loop3A_273 {strides = array<i32>} : memref<2x256x128xf32, #tpu.memory_space<vmem>>, vector<1x1x16xf32>,
          %parallel_loop3A_274 = arith.constant 1 : i32
          %parallel_loop3A_275 = arith.index_cast %parallel_loop3A_274 : i32 to index
          %parallel_loop3A_276 = arith.index_cast %parallel_loop3A_225 : i32 to index
          %parallel_loop3A_277 = arith.constant 48 : index
          %parallel_loop3A_278 = tpu.vector_load %arg6[%parallel_loop3A_275, %parallel_loop3A_276, %parallel_loop3A_277] {strides = array<i32>} : memref<2x256x128xf32, #tpu.memory_space<vmem>>, vector<1x1x16xf32>,
          %parallel_loop3A_279 = vector.shape_cast %parallel_loop3A_278 : vector<1x1x16xf32> to vector<16xf32>
          %parallel_loop3A_280 = arith.constant 11.3137083 : f32
          %parallel_loop3A_281 = vector.broadcast %parallel_loop3A_280 : f32 to vector<16xf32>
          %parallel_loop3A_282 = arith.mulf %parallel_loop3A_279, %parallel_loop3A_281 : vector<16xf32>
          %parallel_loop3A_283 = arith.constant 1 : i32
          %parallel_loop3A_284 = arith.index_cast %parallel_loop3A_283 : i32 to index
          %parallel_loop3A_285 = arith.index_cast %parallel_loop3A_225 : i32 to index
          %parallel_loop3A_286 = arith.constant 48 : index
          %parallel_loop3A_287 = tpu.vector_load %arg6[%parallel_loop3A_284, %parallel_loop3A_285, %parallel_loop3A_286] {strides = array<i32>} : memref<2x256x128xf32, #tpu.memory_space<vmem>>, vector<1x1x16xf32>,
          %parallel_loop3A_288 = vector.shape_cast %parallel_loop3A_287 : vector<1x1x16xf32> to vector<16xf32>
          %parallel_loop3A_289 = vector.shape_cast %parallel_loop3A_282 : vector<16xf32> to vector<1x1x16xf32>
          tpu.vector_store %arg6[%parallel_loop3A_284, %parallel_loop3A_285, %parallel_loop3A_286], %parallel_loop3A_289 {strides = array<i32>} : memref<2x256x128xf32, #tpu.memory_space<vmem>>, vector<1x1x16xf32>,
          %parallel_loop3A_290 = arith.constant 1 : i32
          %parallel_loop3A_291 = arith.index_cast %parallel_loop3A_290 : i32 to index
          %parallel_loop3A_292 = arith.index_cast %parallel_loop3A_225 : i32 to index
          %parallel_loop3A_293 = arith.constant 64 : index
          %parallel_loop3A_294 = tpu.vector_load %arg6[%parallel_loop3A_291, %parallel_loop3A_292, %parallel_loop3A_293] {strides = array<i32>} : memref<2x256x128xf32, #tpu.memory_space<vmem>>, vector<1x1x16xf32>,
          %parallel_loop3A_295 = vector.shape_cast %parallel_loop3A_294 : vector<1x1x16xf32> to vector<16xf32>
          %parallel_loop3A_296 = arith.constant 11.3137083 : f32
          %parallel_loop3A_297 = vector.broadcast %parallel_loop3A_296 : f32 to vector<16xf32>
          %parallel_loop3A_298 = arith.mulf %parallel_loop3A_295, %parallel_loop3A_297 : vector<16xf32>
          %parallel_loop3A_299 = arith.constant 1 : i32
          %parallel_loop3A_300 = arith.index_cast %parallel_loop3A_299 : i32 to index
          %parallel_loop3A_301 = arith.index_cast %parallel_loop3A_225 : i32 to index
          %parallel_loop3A_302 = arith.constant 64 : index
          %parallel_loop3A_303 = tpu.vector_load %arg6[%parallel_loop3A_300, %parallel_loop3A_301, %parallel_loop3A_302] {strides = array<i32>} : memref<2x256x128xf32, #tpu.memory_space<vmem>>, vector<1x1x16xf32>,
          %parallel_loop3A_304 = vector.shape_cast %parallel_loop3A_303 : vector<1x1x16xf32> to vector<16xf32>
          %parallel_loop3A_305 = vector.shape_cast %parallel_loop3A_298 : vector<16xf32> to vector<1x1x16xf32>
          tpu.vector_store %arg6[%parallel_loop3A_300, %parallel_loop3A_301, %parallel_loop3A_302], %parallel_loop3A_305 {strides = array<i32>} : memref<2x256x128xf32, #tpu.memory_space<vmem>>, vector<1x1x16xf32>,
          %parallel_loop3A_306 = arith.constant 1 : i32
          %parallel_loop3A_307 = arith.index_cast %parallel_loop3A_306 : i32 to index
          %parallel_loop3A_308 = arith.index_cast %parallel_loop3A_225 : i32 to index
          %parallel_loop3A_309 = arith.constant 80 : index
          %parallel_loop3A_310 = tpu.vector_load %arg6[%parallel_loop3A_307, %parallel_loop3A_308, %parallel_loop3A_309] {strides = array<i32>} : memref<2x256x128xf32, #tpu.memory_space<vmem>>, vector<1x1x16xf32>,
          %parallel_loop3A_311 = vector.shape_cast %parallel_loop3A_310 : vector<1x1x16xf32> to vector<16xf32>
          %parallel_loop3A_312 = arith.constant 11.3137083 : f32
          %parallel_loop3A_313 = vector.broadcast %parallel_loop3A_312 : f32 to vector<16xf32>
          %parallel_loop3A_314 = arith.mulf %parallel_loop3A_311, %parallel_loop3A_313 : vector<16xf32>
          %parallel_loop3A_315 = arith.constant 1 : i32
          %parallel_loop3A_316 = arith.index_cast %parallel_loop3A_315 : i32 to index
          %parallel_loop3A_317 = arith.index_cast %parallel_loop3A_225 : i32 to index
          %parallel_loop3A_318 = arith.constant 80 : index
          %parallel_loop3A_319 = tpu.vector_load %arg6[%parallel_loop3A_316, %parallel_loop3A_317, %parallel_loop3A_318] {strides = array<i32>} : memref<2x256x128xf32, #tpu.memory_space<vmem>>, vector<1x1x16xf32>,
          %parallel_loop3A_320 = vector.shape_cast %parallel_loop3A_319 : vector<1x1x16xf32> to vector<16xf32>
          %parallel_loop3A_321 = vector.shape_cast %parallel_loop3A_314 : vector<16xf32> to vector<1x1x16xf32>
          tpu.vector_store %arg6[%parallel_loop3A_316, %parallel_loop3A_317, %parallel_loop3A_318], %parallel_loop3A_321 {strides = array<i32>} : memref<2x256x128xf32, #tpu.memory_space<vmem>>, vector<1x1x16xf32>,
          %parallel_loop3A_322 = arith.constant 1 : i32
          %parallel_loop3A_323 = arith.index_cast %parallel_loop3A_322 : i32 to index
          %parallel_loop3A_324 = arith.index_cast %parallel_loop3A_225 : i32 to index
          %parallel_loop3A_325 = arith.constant 96 : index
          %parallel_loop3A_326 = tpu.vector_load %arg6[%parallel_loop3A_323, %parallel_loop3A_324, %parallel_loop3A_325] {strides = array<i32>} : memref<2x256x128xf32, #tpu.memory_space<vmem>>, vector<1x1x16xf32>,
          %parallel_loop3A_327 = vector.shape_cast %parallel_loop3A_326 : vector<1x1x16xf32> to vector<16xf32>
          %parallel_loop3A_328 = arith.constant 11.3137083 : f32
          %parallel_loop3A_329 = vector.broadcast %parallel_loop3A_328 : f32 to vector<16xf32>
          %parallel_loop3A_330 = arith.mulf %parallel_loop3A_327, %parallel_loop3A_329 : vector<16xf32>
          %parallel_loop3A_331 = arith.constant 1 : i32
          %parallel_loop3A_332 = arith.index_cast %parallel_loop3A_331 : i32 to index
          %parallel_loop3A_333 = arith.index_cast %parallel_loop3A_225 : i32 to index
          %parallel_loop3A_334 = arith.constant 96 : index
          %parallel_loop3A_335 = tpu.vector_load %arg6[%parallel_loop3A_332, %parallel_loop3A_333, %parallel_loop3A_334] {strides = array<i32>} : memref<2x256x128xf32, #tpu.memory_space<vmem>>, vector<1x1x16xf32>,
          %parallel_loop3A_336 = vector.shape_cast %parallel_loop3A_335 : vector<1x1x16xf32> to vector<16xf32>
          %parallel_loop3A_337 = vector.shape_cast %parallel_loop3A_330 : vector<16xf32> to vector<1x1x16xf32>
          tpu.vector_store %arg6[%parallel_loop3A_332, %parallel_loop3A_333, %parallel_loop3A_334], %parallel_loop3A_337 {strides = array<i32>} : memref<2x256x128xf32, #tpu.memory_space<vmem>>, vector<1x1x16xf32>,
          %parallel_loop3A_338 = arith.constant 1 : i32
          %parallel_loop3A_339 = arith.index_cast %parallel_loop3A_338 : i32 to index
          %parallel_loop3A_340 = arith.index_cast %parallel_loop3A_225 : i32 to index
          %parallel_loop3A_341 = arith.constant 112 : index
          %parallel_loop3A_342 = tpu.vector_load %arg6[%parallel_loop3A_339, %parallel_loop3A_340, %parallel_loop3A_341] {strides = array<i32>} : memref<2x256x128xf32, #tpu.memory_space<vmem>>, vector<1x1x16xf32>,
          %parallel_loop3A_343 = vector.shape_cast %parallel_loop3A_342 : vector<1x1x16xf32> to vector<16xf32>
          %parallel_loop3A_344 = arith.constant 11.3137083 : f32
          %parallel_loop3A_345 = vector.broadcast %parallel_loop3A_344 : f32 to vector<16xf32>
          %parallel_loop3A_346 = arith.mulf %parallel_loop3A_343, %parallel_loop3A_345 : vector<16xf32>
          %parallel_loop3A_347 = arith.constant 1 : i32
          %parallel_loop3A_348 = arith.index_cast %parallel_loop3A_347 : i32 to index
          %parallel_loop3A_349 = arith.index_cast %parallel_loop3A_225 : i32 to index
          %parallel_loop3A_350 = arith.constant 112 : index
          %parallel_loop3A_351 = tpu.vector_load %arg6[%parallel_loop3A_348, %parallel_loop3A_349, %parallel_loop3A_350] {strides = array<i32>} : memref<2x256x128xf32, #tpu.memory_space<vmem>>, vector<1x1x16xf32>,
          %parallel_loop3A_352 = vector.shape_cast %parallel_loop3A_351 : vector<1x1x16xf32> to vector<16xf32>
          %parallel_loop3A_353 = vector.shape_cast %parallel_loop3A_346 : vector<16xf32> to vector<1x1x16xf32>
          tpu.vector_store %arg6[%parallel_loop3A_348, %parallel_loop3A_349, %parallel_loop3A_350], %parallel_loop3A_353 {strides = array<i32>} : memref<2x256x128xf32, #tpu.memory_space<vmem>>, vector<1x1x16xf32>,
        } {sc.loop_unroll_factor = 4 : i64, sc.parallel_access}
        %sub3A = arith.constant 1 : i32
        %sub3A_206 = arith.subi %add3A_91, %sub3A : i32
        %mul3A_207 = arith.constant 2 : i32
        %mul3A_208 = arith.muli %sub3A_206, %mul3A_207 : i32
        %add3A_209 = arith.addi %mul3A_4, %mul3A_208 : i32
        %mul3A_210 = arith.constant 128 : i32
        %mul3A_211 = arith.muli %add3A_209, %mul3A_210 : i32
        %dma_start3A_212 = arith.constant 1 : i32
        %dma_start3A_213 = arith.constant 0 : i32
        %dma_start3A_214 = arith.constant 0 : i32
        %dma_start3A_215 = tpu.memref_slice %arg6[%dma_start3A_212, %dma_start3A_213, %dma_start3A_214] : memref<2x256x128xf32, #tpu.memory_space<vmem>> -> memref<1x256x128xf32, #tpu.memory_space<vmem>>
        %dma_start3A_216 = tpu.memref_squeeze %dma_start3A_215 : memref<1x256x128xf32, #tpu.memory_space<vmem>> -> memref<256x128xf32, #tpu.memory_space<vmem>>
        %dma_start3A_217 = arith.constant 0 : i32
        %dma_start3A_218 = tpu.memref_slice %arg4[%mul3A_211, %dma_start3A_217] : memref<819200x128xf32, #tpu.memory_space<hbm>> -> memref<256x128xf32, #tpu.memory_space<hbm>>
        %dma_start3A_219 = arith.constant 0 : i32
        %dma_start3A_220 = tpu.memref_slice %arg4[%mul3A_211, %dma_start3A_219] : memref<819200x128xf32, #tpu.memory_space<hbm>> -> memref<256x128xf32, #tpu.memory_space<hbm>>
        %dma_start3A_221 = arith.constant 0 : i32
        %dma_start3A_222 = arith.constant 0 : i32
        %dma_start3A_223 = tpu.memref_slice %arg6[%dma_start3A_212, %dma_start3A_221, %dma_start3A_222] : memref<2x256x128xf32, #tpu.memory_space<vmem>> -> memref<1x256x128xf32, #tpu.memory_space<vmem>>
        %dma_start3A_224 = tpu.memref_squeeze %dma_start3A_223 : memref<1x256x128xf32, #tpu.memory_space<vmem>> -> memref<256x128xf32, #tpu.memory_space<vmem>>
        tpu.enqueue_dma source(%dma_start3A_224 : memref<256x128xf32, #tpu.memory_space<vmem>>) target(%dma_start3A_220 : memref<256x128xf32, #tpu.memory_space<hbm>>) target_semaphore(%arg12 : memref<!tpu.dma_semaphore, #tpu.memory_space<semaphore_mem>>)
      } else {
      }
      %mul3A_129 = arith.constant 2 : i32
      %mul3A_130 = arith.muli %scan3A_87, %mul3A_129 : i32
      %add3A_131 = arith.constant 1 : i32
      %add3A_132 = arith.addi %mul3A_130, %add3A_131 : i32
      %ge3A_133 = arith.constant 2 : i32
      %ge3A_134 = arith.cmpi sge, %add3A_132, %ge3A_133 : i32
      %convert_element_type3A_135 = arith.extui %ge3A_134 : i1 to i32
      %cond3A_136 = arith.constant 0 : i32
      %cond3A_137 = arith.cmpi ne, %convert_element_type3A_135, %cond3A_136 : i32
      scf.if %cond3A_137 {
        %dma_wait3A_173 = arith.constant 1 : i32
        %dma_wait3A_174 = arith.constant 0 : i32
        %dma_wait3A_175 = arith.constant 0 : i32
        %dma_wait3A_176 = tpu.memref_slice %arg6[%dma_wait3A_173, %dma_wait3A_174, %dma_wait3A_175] : memref<2x256x128xf32, #tpu.memory_space<vmem>> -> memref<1x256x128xf32, #tpu.memory_space<vmem>>
        %dma_wait3A_177 = tpu.memref_squeeze %dma_wait3A_176 : memref<1x256x128xf32, #tpu.memory_space<vmem>> -> memref<256x128xf32, #tpu.memory_space<vmem>>
        %dma_wait3A_178 = arith.constant 0 : i32
        %dma_wait3A_179 = arith.constant 0 : i32
        %dma_wait3A_180 = tpu.memref_slice %arg4[%dma_wait3A_178, %dma_wait3A_179] : memref<819200x128xf32, #tpu.memory_space<hbm>> -> memref<256x128xf32, #tpu.memory_space<hbm>>
        %dma_wait3A_181 = arith.constant 0 : i32
        %dma_wait3A_182 = arith.constant 0 : i32
        %dma_wait3A_183 = tpu.memref_slice %arg4[%dma_wait3A_181, %dma_wait3A_182] : memref<819200x128xf32, #tpu.memory_space<hbm>> -> memref<256x128xf32, #tpu.memory_space<hbm>>
        %dma_wait3A_184 = arith.constant 0 : i32
        %dma_wait3A_185 = arith.constant 0 : i32
        %dma_wait3A_186 = tpu.memref_slice %arg6[%dma_wait3A_173, %dma_wait3A_184, %dma_wait3A_185] : memref<2x256x128xf32, #tpu.memory_space<vmem>> -> memref<1x256x128xf32, #tpu.memory_space<vmem>>
        %dma_wait3A_187 = tpu.memref_squeeze %dma_wait3A_186 : memref<1x256x128xf32, #tpu.memory_space<vmem>> -> memref<256x128xf32, #tpu.memory_space<vmem>>
        tpu.wait_dma2 semaphore(%arg12 : memref<!tpu.dma_semaphore, #tpu.memory_space<semaphore_mem>>) src(%dma_wait3A_187 : memref<256x128xf32, #tpu.memory_space<vmem>>) dst(%dma_wait3A_183 : memref<256x128xf32, #tpu.memory_space<hbm>>)
      } else {
      }
      %mul3A_138 = arith.constant 2 : i32
      %mul3A_139 = arith.muli %add3A_132, %mul3A_138 : i32
      %add3A_140 = arith.constant 0 : i32
      %add3A_141 = arith.addi %mul3A_139, %add3A_140 : i32
      %dma_start3A_142 = arith.constant 1 : i32
      %dma_start3A_143 = arith.constant 0 : i32
      %dma_start3A_144 = arith.constant 0 : i32
      %dma_start3A_145 = tpu.memref_slice %arg6[%dma_start3A_142, %dma_start3A_143, %dma_start3A_144] : memref<2x256x128xf32, #tpu.memory_space<vmem>> -> memref<1x128x128xf32, #tpu.memory_space<vmem>>
      %dma_start3A_146 = tpu.memref_squeeze %dma_start3A_145 : memref<1x128x128xf32, #tpu.memory_space<vmem>> -> memref<128x128xf32, #tpu.memory_space<vmem>>
      %dma_start3A_147 = arith.constant 0 : i32
      %dma_start3A_148 = tpu.memref_slice %arg5[%add3A_141, %dma_start3A_147] : memref<200x128xi32, #tpu.memory_space<vmem>> -> memref<1x128xi32, #tpu.memory_space<vmem>>
      %dma_start3A_149 = tpu.memref_squeeze %dma_start3A_148 : memref<1x128xi32, #tpu.memory_space<vmem>> -> memref<128xi32, #tpu.memory_space<vmem>>
      %dma_start3A_150 = arith.constant 0 : i32
      %dma_start3A_151 = arith.constant 0 : i32
      %dma_start3A_152 = tpu.memref_slice %arg2[%dma_start3A_150, %dma_start3A_151] : memref<100000x128xf32, #tpu.memory_space<hbm>> -> memref<100000x128xf32, #tpu.memory_space<hbm>>
      tpu.enqueue_indirect_dma source(%dma_start3A_152 : memref<100000x128xf32, #tpu.memory_space<hbm>>) target(%dma_start3A_146 : memref<128x128xf32, #tpu.memory_space<vmem>>) offsets(%dma_start3A_149 : memref<128xi32, #tpu.memory_space<vmem>>) semaphore(%arg9 : memref<!tpu.dma_semaphore, #tpu.memory_space<semaphore_mem>>)
      %mul3A_153 = arith.constant 2 : i32
      %mul3A_154 = arith.muli %add3A_132, %mul3A_153 : i32
      %add3A_155 = arith.constant 1 : i32
      %add3A_156 = arith.addi %mul3A_154, %add3A_155 : i32
      %dma_start3A_157 = arith.constant 1 : i32
      %dma_start3A_158 = arith.constant 128 : i32
      %dma_start3A_159 = arith.constant 0 : i32
      %dma_start3A_160 = tpu.memref_slice %arg6[%dma_start3A_157, %dma_start3A_158, %dma_start3A_159] : memref<2x256x128xf32, #tpu.memory_space<vmem>> -> memref<1x128x128xf32, #tpu.memory_space<vmem>>
      %dma_start3A_161 = tpu.memref_squeeze %dma_start3A_160 : memref<1x128x128xf32, #tpu.memory_space<vmem>> -> memref<128x128xf32, #tpu.memory_space<vmem>>
      %dma_start3A_162 = arith.constant 0 : i32
      %dma_start3A_163 = tpu.memref_slice %arg5[%add3A_156, %dma_start3A_162] : memref<200x128xi32, #tpu.memory_space<vmem>> -> memref<1x128xi32, #tpu.memory_space<vmem>>
      %dma_start3A_164 = tpu.memref_squeeze %dma_start3A_163 : memref<1x128xi32, #tpu.memory_space<vmem>> -> memref<128xi32, #tpu.memory_space<vmem>>
      %dma_start3A_165 = arith.constant 0 : i32
      %dma_start3A_166 = arith.constant 0 : i32
      %dma_start3A_167 = tpu.memref_slice %arg2[%dma_start3A_165, %dma_start3A_166] : memref<100000x128xf32, #tpu.memory_space<hbm>> -> memref<100000x128xf32, #tpu.memory_space<hbm>>
      tpu.enqueue_indirect_dma source(%dma_start3A_167 : memref<100000x128xf32, #tpu.memory_space<hbm>>) target(%dma_start3A_161 : memref<128x128xf32, #tpu.memory_space<vmem>>) offsets(%dma_start3A_164 : memref<128xi32, #tpu.memory_space<vmem>>) semaphore(%arg10 : memref<!tpu.dma_semaphore, #tpu.memory_space<semaphore_mem>>)
      %ge3A_168 = arith.constant 1 : i32
      %ge3A_169 = arith.cmpi sge, %add3A_132, %ge3A_168 : i32
      %convert_element_type3A_170 = arith.extui %ge3A_169 : i1 to i32
      %cond3A_171 = arith.constant 0 : i32
      %cond3A_172 = arith.cmpi ne, %convert_element_type3A_170, %cond3A_171 : i32
      scf.if %cond3A_172 {
        %dma_wait3A_173 = arith.constant 0 : i32
        %dma_wait3A_174 = arith.constant 0 : i32
        %dma_wait3A_175 = arith.constant 0 : i32
        %dma_wait3A_176 = tpu.memref_slice %arg6[%dma_wait3A_173, %dma_wait3A_174, %dma_wait3A_175] : memref<2x256x128xf32, #tpu.memory_space<vmem>> -> memref<1x128x128xf32, #tpu.memory_space<vmem>>
        %dma_wait3A_177 = tpu.memref_squeeze %dma_wait3A_176 : memref<1x128x128xf32, #tpu.memory_space<vmem>> -> memref<128x128xf32, #tpu.memory_space<vmem>>
        %dma_wait3A_178 = arith.constant 0 : i32
        %dma_wait3A_179 = arith.constant 0 : i32
        %dma_wait3A_180 = tpu.memref_slice %arg2[%dma_wait3A_178, %dma_wait3A_179] : memref<100000x128xf32, #tpu.memory_space<hbm>> -> memref<128x128xf32, #tpu.memory_space<hbm>>
        %dma_wait3A_181 = arith.constant 0 : i32
        %dma_wait3A_182 = arith.constant 0 : i32
        %dma_wait3A_183 = tpu.memref_slice %arg6[%dma_wait3A_173, %dma_wait3A_181, %dma_wait3A_182] : memref<2x256x128xf32, #tpu.memory_space<vmem>> -> memref<1x128x128xf32, #tpu.memory_space<vmem>>
        %dma_wait3A_184 = tpu.memref_squeeze %dma_wait3A_183 : memref<1x128x128xf32, #tpu.memory_space<vmem>> -> memref<128x128xf32, #tpu.memory_space<vmem>>
        %dma_wait3A_185 = arith.constant 0 : i32
        %dma_wait3A_186 = arith.constant 0 : i32
        %dma_wait3A_187 = tpu.memref_slice %arg2[%dma_wait3A_185, %dma_wait3A_186] : memref<100000x128xf32, #tpu.memory_space<hbm>> -> memref<128x128xf32, #tpu.memory_space<hbm>>
        tpu.wait_dma2 semaphore(%arg7 : memref<!tpu.dma_semaphore, #tpu.memory_space<semaphore_mem>>) src(%dma_wait3A_187 : memref<128x128xf32, #tpu.memory_space<hbm>>) dst(%dma_wait3A_184 : memref<128x128xf32, #tpu.memory_space<vmem>>)
        %dma_wait3A_188 = arith.constant 0 : i32
        %dma_wait3A_189 = arith.constant 128 : i32
        %dma_wait3A_190 = arith.constant 0 : i32
        %dma_wait3A_191 = tpu.memref_slice %arg6[%dma_wait3A_188, %dma_wait3A_189, %dma_wait3A_190] : memref<2x256x128xf32, #tpu.memory_space<vmem>> -> memref<1x128x128xf32, #tpu.memory_space<vmem>>
        %dma_wait3A_192 = tpu.memref_squeeze %dma_wait3A_191 : memref<1x128x128xf32, #tpu.memory_space<vmem>> -> memref<128x128xf32, #tpu.memory_space<vmem>>
        %dma_wait3A_193 = arith.constant 0 : i32
        %dma_wait3A_194 = arith.constant 0 : i32
        %dma_wait3A_195 = tpu.memref_slice %arg2[%dma_wait3A_193, %dma_wait3A_194] : memref<100000x128xf32, #tpu.memory_space<hbm>> -> memref<128x128xf32, #tpu.memory_space<hbm>>
        %dma_wait3A_196 = arith.constant 128 : i32
        %dma_wait3A_197 = arith.constant 0 : i32
        %dma_wait3A_198 = tpu.memref_slice %arg6[%dma_wait3A_188, %dma_wait3A_196, %dma_wait3A_197] : memref<2x256x128xf32, #tpu.memory_space<vmem>> -> memref<1x128x128xf32, #tpu.memory_space<vmem>>
        %dma_wait3A_199 = tpu.memref_squeeze %dma_wait3A_198 : memref<1x128x128xf32, #tpu.memory_space<vmem>> -> memref<128x128xf32, #tpu.memory_space<vmem>>
        %dma_wait3A_200 = arith.constant 0 : i32
        %dma_wait3A_201 = arith.constant 0 : i32
        %dma_wait3A_202 = tpu.memref_slice %arg2[%dma_wait3A_200, %dma_wait3A_201] : memref<100000x128xf32, #tpu.memory_space<hbm>> -> memref<128x128xf32, #tpu.memory_space<hbm>>
        tpu.wait_dma2 semaphore(%arg8 : memref<!tpu.dma_semaphore, #tpu.memory_space<semaphore_mem>>) src(%dma_wait3A_202 : memref<128x128xf32, #tpu.memory_space<hbm>>) dst(%dma_wait3A_199 : memref<128x128xf32, #tpu.memory_space<vmem>>)
        %parallel_loop3A_203 = arith.constant 0 : i32
        %parallel_loop3A_204 = arith.constant 256 : i32
        %parallel_loop3A_205 = arith.constant 1 : i32
        scf.for %parallel_loop3A_225 = %parallel_loop3A_203 to %parallel_loop3A_204 step %parallel_loop3A_205  : i32 {
          %parallel_loop3A_226 = arith.constant 0 : i32
          %parallel_loop3A_227 = arith.index_cast %parallel_loop3A_226 : i32 to index
          %parallel_loop3A_228 = arith.index_cast %parallel_loop3A_225 : i32 to index
          %parallel_loop3A_229 = arith.constant 0 : index
          %parallel_loop3A_230 = tpu.vector_load %arg6[%parallel_loop3A_227, %parallel_loop3A_228, %parallel_loop3A_229] {strides = array<i32>} : memref<2x256x128xf32, #tpu.memory_space<vmem>>, vector<1x1x16xf32>,
          %parallel_loop3A_231 = vector.shape_cast %parallel_loop3A_230 : vector<1x1x16xf32> to vector<16xf32>
          %parallel_loop3A_232 = arith.constant 11.3137083 : f32
          %parallel_loop3A_233 = vector.broadcast %parallel_loop3A_232 : f32 to vector<16xf32>
          %parallel_loop3A_234 = arith.mulf %parallel_loop3A_231, %parallel_loop3A_233 : vector<16xf32>
          %parallel_loop3A_235 = arith.constant 0 : i32
          %parallel_loop3A_236 = arith.index_cast %parallel_loop3A_235 : i32 to index
          %parallel_loop3A_237 = arith.index_cast %parallel_loop3A_225 : i32 to index
          %parallel_loop3A_238 = arith.constant 0 : index
          %parallel_loop3A_239 = tpu.vector_load %arg6[%parallel_loop3A_236, %parallel_loop3A_237, %parallel_loop3A_238] {strides = array<i32>} : memref<2x256x128xf32, #tpu.memory_space<vmem>>, vector<1x1x16xf32>,
          %parallel_loop3A_240 = vector.shape_cast %parallel_loop3A_239 : vector<1x1x16xf32> to vector<16xf32>
          %parallel_loop3A_241 = vector.shape_cast %parallel_loop3A_234 : vector<16xf32> to vector<1x1x16xf32>
          tpu.vector_store %arg6[%parallel_loop3A_236, %parallel_loop3A_237, %parallel_loop3A_238], %parallel_loop3A_241 {strides = array<i32>} : memref<2x256x128xf32, #tpu.memory_space<vmem>>, vector<1x1x16xf32>,
          %parallel_loop3A_242 = arith.constant 0 : i32
          %parallel_loop3A_243 = arith.index_cast %parallel_loop3A_242 : i32 to index
          %parallel_loop3A_244 = arith.index_cast %parallel_loop3A_225 : i32 to index
          %parallel_loop3A_245 = arith.constant 16 : index
          %parallel_loop3A_246 = tpu.vector_load %arg6[%parallel_loop3A_243, %parallel_loop3A_244, %parallel_loop3A_245] {strides = array<i32>} : memref<2x256x128xf32, #tpu.memory_space<vmem>>, vector<1x1x16xf32>,
          %parallel_loop3A_247 = vector.shape_cast %parallel_loop3A_246 : vector<1x1x16xf32> to vector<16xf32>
          %parallel_loop3A_248 = arith.constant 11.3137083 : f32
          %parallel_loop3A_249 = vector.broadcast %parallel_loop3A_248 : f32 to vector<16xf32>
          %parallel_loop3A_250 = arith.mulf %parallel_loop3A_247, %parallel_loop3A_249 : vector<16xf32>
          %parallel_loop3A_251 = arith.constant 0 : i32
          %parallel_loop3A_252 = arith.index_cast %parallel_loop3A_251 : i32 to index
          %parallel_loop3A_253 = arith.index_cast %parallel_loop3A_225 : i32 to index
          %parallel_loop3A_254 = arith.constant 16 : index
          %parallel_loop3A_255 = tpu.vector_load %arg6[%parallel_loop3A_252, %parallel_loop3A_253, %parallel_loop3A_254] {strides = array<i32>} : memref<2x256x128xf32, #tpu.memory_space<vmem>>, vector<1x1x16xf32>,
          %parallel_loop3A_256 = vector.shape_cast %parallel_loop3A_255 : vector<1x1x16xf32> to vector<16xf32>
          %parallel_loop3A_257 = vector.shape_cast %parallel_loop3A_250 : vector<16xf32> to vector<1x1x16xf32>
          tpu.vector_store %arg6[%parallel_loop3A_252, %parallel_loop3A_253, %parallel_loop3A_254], %parallel_loop3A_257 {strides = array<i32>} : memref<2x256x128xf32, #tpu.memory_space<vmem>>, vector<1x1x16xf32>,
          %parallel_loop3A_258 = arith.constant 0 : i32
          %parallel_loop3A_259 = arith.index_cast %parallel_loop3A_258 : i32 to index
          %parallel_loop3A_260 = arith.index_cast %parallel_loop3A_225 : i32 to index
          %parallel_loop3A_261 = arith.constant 32 : index
          %parallel_loop3A_262 = tpu.vector_load %arg6[%parallel_loop3A_259, %parallel_loop3A_260, %parallel_loop3A_261] {strides = array<i32>} : memref<2x256x128xf32, #tpu.memory_space<vmem>>, vector<1x1x16xf32>,
          %parallel_loop3A_263 = vector.shape_cast %parallel_loop3A_262 : vector<1x1x16xf32> to vector<16xf32>
          %parallel_loop3A_264 = arith.constant 11.3137083 : f32
          %parallel_loop3A_265 = vector.broadcast %parallel_loop3A_264 : f32 to vector<16xf32>
          %parallel_loop3A_266 = arith.mulf %parallel_loop3A_263, %parallel_loop3A_265 : vector<16xf32>
          %parallel_loop3A_267 = arith.constant 0 : i32
          %parallel_loop3A_268 = arith.index_cast %parallel_loop3A_267 : i32 to index
          %parallel_loop3A_269 = arith.index_cast %parallel_loop3A_225 : i32 to index
          %parallel_loop3A_270 = arith.constant 32 : index
          %parallel_loop3A_271 = tpu.vector_load %arg6[%parallel_loop3A_268, %parallel_loop3A_269, %parallel_loop3A_270] {strides = array<i32>} : memref<2x256x128xf32, #tpu.memory_space<vmem>>, vector<1x1x16xf32>,
          %parallel_loop3A_272 = vector.shape_cast %parallel_loop3A_271 : vector<1x1x16xf32> to vector<16xf32>
          %parallel_loop3A_273 = vector.shape_cast %parallel_loop3A_266 : vector<16xf32> to vector<1x1x16xf32>
          tpu.vector_store %arg6[%parallel_loop3A_268, %parallel_loop3A_269, %parallel_loop3A_270], %parallel_loop3A_273 {strides = array<i32>} : memref<2x256x128xf32, #tpu.memory_space<vmem>>, vector<1x1x16xf32>,
          %parallel_loop3A_274 = arith.constant 0 : i32
          %parallel_loop3A_275 = arith.index_cast %parallel_loop3A_274 : i32 to index
          %parallel_loop3A_276 = arith.index_cast %parallel_loop3A_225 : i32 to index
          %parallel_loop3A_277 = arith.constant 48 : index
          %parallel_loop3A_278 = tpu.vector_load %arg6[%parallel_loop3A_275, %parallel_loop3A_276, %parallel_loop3A_277] {strides = array<i32>} : memref<2x256x128xf32, #tpu.memory_space<vmem>>, vector<1x1x16xf32>,
          %parallel_loop3A_279 = vector.shape_cast %parallel_loop3A_278 : vector<1x1x16xf32> to vector<16xf32>
          %parallel_loop3A_280 = arith.constant 11.3137083 : f32
          %parallel_loop3A_281 = vector.broadcast %parallel_loop3A_280 : f32 to vector<16xf32>
          %parallel_loop3A_282 = arith.mulf %parallel_loop3A_279, %parallel_loop3A_281 : vector<16xf32>
          %parallel_loop3A_283 = arith.constant 0 : i32
          %parallel_loop3A_284 = arith.index_cast %parallel_loop3A_283 : i32 to index
          %parallel_loop3A_285 = arith.index_cast %parallel_loop3A_225 : i32 to index
          %parallel_loop3A_286 = arith.constant 48 : index
          %parallel_loop3A_287 = tpu.vector_load %arg6[%parallel_loop3A_284, %parallel_loop3A_285, %parallel_loop3A_286] {strides = array<i32>} : memref<2x256x128xf32, #tpu.memory_space<vmem>>, vector<1x1x16xf32>,
          %parallel_loop3A_288 = vector.shape_cast %parallel_loop3A_287 : vector<1x1x16xf32> to vector<16xf32>
          %parallel_loop3A_289 = vector.shape_cast %parallel_loop3A_282 : vector<16xf32> to vector<1x1x16xf32>
          tpu.vector_store %arg6[%parallel_loop3A_284, %parallel_loop3A_285, %parallel_loop3A_286], %parallel_loop3A_289 {strides = array<i32>} : memref<2x256x128xf32, #tpu.memory_space<vmem>>, vector<1x1x16xf32>,
          %parallel_loop3A_290 = arith.constant 0 : i32
          %parallel_loop3A_291 = arith.index_cast %parallel_loop3A_290 : i32 to index
          %parallel_loop3A_292 = arith.index_cast %parallel_loop3A_225 : i32 to index
          %parallel_loop3A_293 = arith.constant 64 : index
          %parallel_loop3A_294 = tpu.vector_load %arg6[%parallel_loop3A_291, %parallel_loop3A_292, %parallel_loop3A_293] {strides = array<i32>} : memref<2x256x128xf32, #tpu.memory_space<vmem>>, vector<1x1x16xf32>,
          %parallel_loop3A_295 = vector.shape_cast %parallel_loop3A_294 : vector<1x1x16xf32> to vector<16xf32>
          %parallel_loop3A_296 = arith.constant 11.3137083 : f32
          %parallel_loop3A_297 = vector.broadcast %parallel_loop3A_296 : f32 to vector<16xf32>
          %parallel_loop3A_298 = arith.mulf %parallel_loop3A_295, %parallel_loop3A_297 : vector<16xf32>
          %parallel_loop3A_299 = arith.constant 0 : i32
          %parallel_loop3A_300 = arith.index_cast %parallel_loop3A_299 : i32 to index
          %parallel_loop3A_301 = arith.index_cast %parallel_loop3A_225 : i32 to index
          %parallel_loop3A_302 = arith.constant 64 : index
          %parallel_loop3A_303 = tpu.vector_load %arg6[%parallel_loop3A_300, %parallel_loop3A_301, %parallel_loop3A_302] {strides = array<i32>} : memref<2x256x128xf32, #tpu.memory_space<vmem>>, vector<1x1x16xf32>,
          %parallel_loop3A_304 = vector.shape_cast %parallel_loop3A_303 : vector<1x1x16xf32> to vector<16xf32>
          %parallel_loop3A_305 = vector.shape_cast %parallel_loop3A_298 : vector<16xf32> to vector<1x1x16xf32>
          tpu.vector_store %arg6[%parallel_loop3A_300, %parallel_loop3A_301, %parallel_loop3A_302], %parallel_loop3A_305 {strides = array<i32>} : memref<2x256x128xf32, #tpu.memory_space<vmem>>, vector<1x1x16xf32>,
          %parallel_loop3A_306 = arith.constant 0 : i32
          %parallel_loop3A_307 = arith.index_cast %parallel_loop3A_306 : i32 to index
          %parallel_loop3A_308 = arith.index_cast %parallel_loop3A_225 : i32 to index
          %parallel_loop3A_309 = arith.constant 80 : index
          %parallel_loop3A_310 = tpu.vector_load %arg6[%parallel_loop3A_307, %parallel_loop3A_308, %parallel_loop3A_309] {strides = array<i32>} : memref<2x256x128xf32, #tpu.memory_space<vmem>>, vector<1x1x16xf32>,
          %parallel_loop3A_311 = vector.shape_cast %parallel_loop3A_310 : vector<1x1x16xf32> to vector<16xf32>
          %parallel_loop3A_312 = arith.constant 11.3137083 : f32
          %parallel_loop3A_313 = vector.broadcast %parallel_loop3A_312 : f32 to vector<16xf32>
          %parallel_loop3A_314 = arith.mulf %parallel_loop3A_311, %parallel_loop3A_313 : vector<16xf32>
          %parallel_loop3A_315 = arith.constant 0 : i32
          %parallel_loop3A_316 = arith.index_cast %parallel_loop3A_315 : i32 to index
          %parallel_loop3A_317 = arith.index_cast %parallel_loop3A_225 : i32 to index
          %parallel_loop3A_318 = arith.constant 80 : index
          %parallel_loop3A_319 = tpu.vector_load %arg6[%parallel_loop3A_316, %parallel_loop3A_317, %parallel_loop3A_318] {strides = array<i32>} : memref<2x256x128xf32, #tpu.memory_space<vmem>>, vector<1x1x16xf32>,
          %parallel_loop3A_320 = vector.shape_cast %parallel_loop3A_319 : vector<1x1x16xf32> to vector<16xf32>
          %parallel_loop3A_321 = vector.shape_cast %parallel_loop3A_314 : vector<16xf32> to vector<1x1x16xf32>
          tpu.vector_store %arg6[%parallel_loop3A_316, %parallel_loop3A_317, %parallel_loop3A_318], %parallel_loop3A_321 {strides = array<i32>} : memref<2x256x128xf32, #tpu.memory_space<vmem>>, vector<1x1x16xf32>,
          %parallel_loop3A_322 = arith.constant 0 : i32
          %parallel_loop3A_323 = arith.index_cast %parallel_loop3A_322 : i32 to index
          %parallel_loop3A_324 = arith.index_cast %parallel_loop3A_225 : i32 to index
          %parallel_loop3A_325 = arith.constant 96 : index
          %parallel_loop3A_326 = tpu.vector_load %arg6[%parallel_loop3A_323, %parallel_loop3A_324, %parallel_loop3A_325] {strides = array<i32>} : memref<2x256x128xf32, #tpu.memory_space<vmem>>, vector<1x1x16xf32>,
          %parallel_loop3A_327 = vector.shape_cast %parallel_loop3A_326 : vector<1x1x16xf32> to vector<16xf32>
          %parallel_loop3A_328 = arith.constant 11.3137083 : f32
          %parallel_loop3A_329 = vector.broadcast %parallel_loop3A_328 : f32 to vector<16xf32>
          %parallel_loop3A_330 = arith.mulf %parallel_loop3A_327, %parallel_loop3A_329 : vector<16xf32>
          %parallel_loop3A_331 = arith.constant 0 : i32
          %parallel_loop3A_332 = arith.index_cast %parallel_loop3A_331 : i32 to index
          %parallel_loop3A_333 = arith.index_cast %parallel_loop3A_225 : i32 to index
          %parallel_loop3A_334 = arith.constant 96 : index
          %parallel_loop3A_335 = tpu.vector_load %arg6[%parallel_loop3A_332, %parallel_loop3A_333, %parallel_loop3A_334] {strides = array<i32>} : memref<2x256x128xf32, #tpu.memory_space<vmem>>, vector<1x1x16xf32>,
          %parallel_loop3A_336 = vector.shape_cast %parallel_loop3A_335 : vector<1x1x16xf32> to vector<16xf32>
          %parallel_loop3A_337 = vector.shape_cast %parallel_loop3A_330 : vector<16xf32> to vector<1x1x16xf32>
          tpu.vector_store %arg6[%parallel_loop3A_332, %parallel_loop3A_333, %parallel_loop3A_334], %parallel_loop3A_337 {strides = array<i32>} : memref<2x256x128xf32, #tpu.memory_space<vmem>>, vector<1x1x16xf32>,
          %parallel_loop3A_338 = arith.constant 0 : i32
          %parallel_loop3A_339 = arith.index_cast %parallel_loop3A_338 : i32 to index
          %parallel_loop3A_340 = arith.index_cast %parallel_loop3A_225 : i32 to index
          %parallel_loop3A_341 = arith.constant 112 : index
          %parallel_loop3A_342 = tpu.vector_load %arg6[%parallel_loop3A_339, %parallel_loop3A_340, %parallel_loop3A_341] {strides = array<i32>} : memref<2x256x128xf32, #tpu.memory_space<vmem>>, vector<1x1x16xf32>,
          %parallel_loop3A_343 = vector.shape_cast %parallel_loop3A_342 : vector<1x1x16xf32> to vector<16xf32>
          %parallel_loop3A_344 = arith.constant 11.3137083 : f32
          %parallel_loop3A_345 = vector.broadcast %parallel_loop3A_344 : f32 to vector<16xf32>
          %parallel_loop3A_346 = arith.mulf %parallel_loop3A_343, %parallel_loop3A_345 : vector<16xf32>
          %parallel_loop3A_347 = arith.constant 0 : i32
          %parallel_loop3A_348 = arith.index_cast %parallel_loop3A_347 : i32 to index
          %parallel_loop3A_349 = arith.index_cast %parallel_loop3A_225 : i32 to index
          %parallel_loop3A_350 = arith.constant 112 : index
          %parallel_loop3A_351 = tpu.vector_load %arg6[%parallel_loop3A_348, %parallel_loop3A_349, %parallel_loop3A_350] {strides = array<i32>} : memref<2x256x128xf32, #tpu.memory_space<vmem>>, vector<1x1x16xf32>,
          %parallel_loop3A_352 = vector.shape_cast %parallel_loop3A_351 : vector<1x1x16xf32> to vector<16xf32>
          %parallel_loop3A_353 = vector.shape_cast %parallel_loop3A_346 : vector<16xf32> to vector<1x1x16xf32>
          tpu.vector_store %arg6[%parallel_loop3A_348, %parallel_loop3A_349, %parallel_loop3A_350], %parallel_loop3A_353 {strides = array<i32>} : memref<2x256x128xf32, #tpu.memory_space<vmem>>, vector<1x1x16xf32>,
        } {sc.loop_unroll_factor = 4 : i64, sc.parallel_access}
        %sub3A = arith.constant 1 : i32
        %sub3A_206 = arith.subi %add3A_132, %sub3A : i32
        %mul3A_207 = arith.constant 2 : i32
        %mul3A_208 = arith.muli %sub3A_206, %mul3A_207 : i32
        %add3A_209 = arith.addi %mul3A_4, %mul3A_208 : i32
        %mul3A_210 = arith.constant 128 : i32
        %mul3A_211 = arith.muli %add3A_209, %mul3A_210 : i32
        %dma_start3A_212 = arith.constant 0 : i32
        %dma_start3A_213 = arith.constant 0 : i32
        %dma_start3A_214 = arith.constant 0 : i32
        %dma_start3A_215 = tpu.memref_slice %arg6[%dma_start3A_212, %dma_start3A_213, %dma_start3A_214] : memref<2x256x128xf32, #tpu.memory_space<vmem>> -> memref<1x256x128xf32, #tpu.memory_space<vmem>>
        %dma_start3A_216 = tpu.memref_squeeze %dma_start3A_215 : memref<1x256x128xf32, #tpu.memory_space<vmem>> -> memref<256x128xf32, #tpu.memory_space<vmem>>
        %dma_start3A_217 = arith.constant 0 : i32
        %dma_start3A_218 = tpu.memref_slice %arg4[%mul3A_211, %dma_start3A_217] : memref<819200x128xf32, #tpu.memory_space<hbm>> -> memref<256x128xf32, #tpu.memory_space<hbm>>
        %dma_start3A_219 = arith.constant 0 : i32
        %dma_start3A_220 = tpu.memref_slice %arg4[%mul3A_211, %dma_start3A_219] : memref<819200x128xf32, #tpu.memory_space<hbm>> -> memref<256x128xf32, #tpu.memory_space<hbm>>
        %dma_start3A_221 = arith.constant 0 : i32
        %dma_start3A_222 = arith.constant 0 : i32
        %dma_start3A_223 = tpu.memref_slice %arg6[%dma_start3A_212, %dma_start3A_221, %dma_start3A_222] : memref<2x256x128xf32, #tpu.memory_space<vmem>> -> memref<1x256x128xf32, #tpu.memory_space<vmem>>
        %dma_start3A_224 = tpu.memref_squeeze %dma_start3A_223 : memref<1x256x128xf32, #tpu.memory_space<vmem>> -> memref<256x128xf32, #tpu.memory_space<vmem>>
        tpu.enqueue_dma source(%dma_start3A_224 : memref<256x128xf32, #tpu.memory_space<vmem>>) target(%dma_start3A_220 : memref<256x128xf32, #tpu.memory_space<hbm>>) target_semaphore(%arg11 : memref<!tpu.dma_semaphore, #tpu.memory_space<semaphore_mem>>)
      } else {
      }
    }
    %scan3A_9 = arith.constant 50 : i32
    %dma_wait3A = arith.constant 1 : i32
    %dma_wait3A_10 = arith.constant 0 : i32
    %dma_wait3A_11 = arith.constant 0 : i32
    %dma_wait3A_12 = tpu.memref_slice %arg6[%dma_wait3A, %dma_wait3A_10, %dma_wait3A_11] : memref<2x256x128xf32, #tpu.memory_space<vmem>> -> memref<1x128x128xf32, #tpu.memory_space<vmem>>
    %dma_wait3A_13 = tpu.memref_squeeze %dma_wait3A_12 : memref<1x128x128xf32, #tpu.memory_space<vmem>> -> memref<128x128xf32, #tpu.memory_space<vmem>>
    %dma_wait3A_14 = arith.constant 0 : i32
    %dma_wait3A_15 = arith.constant 0 : i32
    %dma_wait3A_16 = tpu.memref_slice %arg2[%dma_wait3A_14, %dma_wait3A_15] : memref<100000x128xf32, #tpu.memory_space<hbm>> -> memref<128x128xf32, #tpu.memory_space<hbm>>
    %dma_wait3A_17 = arith.constant 0 : i32
    %dma_wait3A_18 = arith.constant 0 : i32
    %dma_wait3A_19 = tpu.memref_slice %arg6[%dma_wait3A, %dma_wait3A_17, %dma_wait3A_18] : memref<2x256x128xf32, #tpu.memory_space<vmem>> -> memref<1x128x128xf32, #tpu.memory_space<vmem>>
    %dma_wait3A_20 = tpu.memref_squeeze %dma_wait3A_19 : memref<1x128x128xf32, #tpu.memory_space<vmem>> -> memref<128x128xf32, #tpu.memory_space<vmem>>
    %dma_wait3A_21 = arith.constant 0 : i32
    %dma_wait3A_22 = arith.constant 0 : i32
    %dma_wait3A_23 = tpu.memref_slice %arg2[%dma_wait3A_21, %dma_wait3A_22] : memref<100000x128xf32, #tpu.memory_space<hbm>> -> memref<128x128xf32, #tpu.memory_space<hbm>>
    tpu.wait_dma2 semaphore(%arg9 : memref<!tpu.dma_semaphore, #tpu.memory_space<semaphore_mem>>) src(%dma_wait3A_23 : memref<128x128xf32, #tpu.memory_space<hbm>>) dst(%dma_wait3A_20 : memref<128x128xf32, #tpu.memory_space<vmem>>)
    %dma_wait3A_24 = arith.constant 1 : i32
    %dma_wait3A_25 = arith.constant 128 : i32
    %dma_wait3A_26 = arith.constant 0 : i32
    %dma_wait3A_27 = tpu.memref_slice %arg6[%dma_wait3A_24, %dma_wait3A_25, %dma_wait3A_26] : memref<2x256x128xf32, #tpu.memory_space<vmem>> -> memref<1x128x128xf32, #tpu.memory_space<vmem>>
    %dma_wait3A_28 = tpu.memref_squeeze %dma_wait3A_27 : memref<1x128x128xf32, #tpu.memory_space<vmem>> -> memref<128x128xf32, #tpu.memory_space<vmem>>
    %dma_wait3A_29 = arith.constant 0 : i32
    %dma_wait3A_30 = arith.constant 0 : i32
    %dma_wait3A_31 = tpu.memref_slice %arg2[%dma_wait3A_29, %dma_wait3A_30] : memref<100000x128xf32, #tpu.memory_space<hbm>> -> memref<128x128xf32, #tpu.memory_space<hbm>>
    %dma_wait3A_32 = arith.constant 128 : i32
    %dma_wait3A_33 = arith.constant 0 : i32
    %dma_wait3A_34 = tpu.memref_slice %arg6[%dma_wait3A_24, %dma_wait3A_32, %dma_wait3A_33] : memref<2x256x128xf32, #tpu.memory_space<vmem>> -> memref<1x128x128xf32, #tpu.memory_space<vmem>>
    %dma_wait3A_35 = tpu.memref_squeeze %dma_wait3A_34 : memref<1x128x128xf32, #tpu.memory_space<vmem>> -> memref<128x128xf32, #tpu.memory_space<vmem>>
    %dma_wait3A_36 = arith.constant 0 : i32
    %dma_wait3A_37 = arith.constant 0 : i32
    %dma_wait3A_38 = tpu.memref_slice %arg2[%dma_wait3A_36, %dma_wait3A_37] : memref<100000x128xf32, #tpu.memory_space<hbm>> -> memref<128x128xf32, #tpu.memory_space<hbm>>
    tpu.wait_dma2 semaphore(%arg10 : memref<!tpu.dma_semaphore, #tpu.memory_space<semaphore_mem>>) src(%dma_wait3A_38 : memref<128x128xf32, #tpu.memory_space<hbm>>) dst(%dma_wait3A_35 : memref<128x128xf32, #tpu.memory_space<vmem>>)
    %parallel_loop3A = arith.constant 0 : i32
    %parallel_loop3A_39 = arith.constant 256 : i32
    %parallel_loop3A_40 = arith.constant 1 : i32
    scf.for %parallel_loop3A_87 = %parallel_loop3A to %parallel_loop3A_39 step %parallel_loop3A_40  : i32 {
      %parallel_loop3A_88 = arith.constant 1 : i32
      %parallel_loop3A_89 = arith.index_cast %parallel_loop3A_88 : i32 to index
      %parallel_loop3A_90 = arith.index_cast %parallel_loop3A_87 : i32 to index
      %parallel_loop3A_91 = arith.constant 0 : index
      %parallel_loop3A_92 = tpu.vector_load %arg6[%parallel_loop3A_89, %parallel_loop3A_90, %parallel_loop3A_91] {strides = array<i32>} : memref<2x256x128xf32, #tpu.memory_space<vmem>>, vector<1x1x16xf32>,
      %parallel_loop3A_93 = vector.shape_cast %parallel_loop3A_92 : vector<1x1x16xf32> to vector<16xf32>
      %parallel_loop3A_94 = arith.constant 11.3137083 : f32
      %parallel_loop3A_95 = vector.broadcast %parallel_loop3A_94 : f32 to vector<16xf32>
      %parallel_loop3A_96 = arith.mulf %parallel_loop3A_93, %parallel_loop3A_95 : vector<16xf32>
      %parallel_loop3A_97 = arith.constant 1 : i32
      %parallel_loop3A_98 = arith.index_cast %parallel_loop3A_97 : i32 to index
      %parallel_loop3A_99 = arith.index_cast %parallel_loop3A_87 : i32 to index
      %parallel_loop3A_100 = arith.constant 0 : index
      %parallel_loop3A_101 = tpu.vector_load %arg6[%parallel_loop3A_98, %parallel_loop3A_99, %parallel_loop3A_100] {strides = array<i32>} : memref<2x256x128xf32, #tpu.memory_space<vmem>>, vector<1x1x16xf32>,
      %parallel_loop3A_102 = vector.shape_cast %parallel_loop3A_101 : vector<1x1x16xf32> to vector<16xf32>
      %parallel_loop3A_103 = vector.shape_cast %parallel_loop3A_96 : vector<16xf32> to vector<1x1x16xf32>
      tpu.vector_store %arg6[%parallel_loop3A_98, %parallel_loop3A_99, %parallel_loop3A_100], %parallel_loop3A_103 {strides = array<i32>} : memref<2x256x128xf32, #tpu.memory_space<vmem>>, vector<1x1x16xf32>,
      %parallel_loop3A_104 = arith.constant 1 : i32
      %parallel_loop3A_105 = arith.index_cast %parallel_loop3A_104 : i32 to index
      %parallel_loop3A_106 = arith.index_cast %parallel_loop3A_87 : i32 to index
      %parallel_loop3A_107 = arith.constant 16 : index
      %parallel_loop3A_108 = tpu.vector_load %arg6[%parallel_loop3A_105, %parallel_loop3A_106, %parallel_loop3A_107] {strides = array<i32>} : memref<2x256x128xf32, #tpu.memory_space<vmem>>, vector<1x1x16xf32>,
      %parallel_loop3A_109 = vector.shape_cast %parallel_loop3A_108 : vector<1x1x16xf32> to vector<16xf32>
      %parallel_loop3A_110 = arith.constant 11.3137083 : f32
      %parallel_loop3A_111 = vector.broadcast %parallel_loop3A_110 : f32 to vector<16xf32>
      %parallel_loop3A_112 = arith.mulf %parallel_loop3A_109, %parallel_loop3A_111 : vector<16xf32>
      %parallel_loop3A_113 = arith.constant 1 : i32
      %parallel_loop3A_114 = arith.index_cast %parallel_loop3A_113 : i32 to index
      %parallel_loop3A_115 = arith.index_cast %parallel_loop3A_87 : i32 to index
      %parallel_loop3A_116 = arith.constant 16 : index
      %parallel_loop3A_117 = tpu.vector_load %arg6[%parallel_loop3A_114, %parallel_loop3A_115, %parallel_loop3A_116] {strides = array<i32>} : memref<2x256x128xf32, #tpu.memory_space<vmem>>, vector<1x1x16xf32>,
      %parallel_loop3A_118 = vector.shape_cast %parallel_loop3A_117 : vector<1x1x16xf32> to vector<16xf32>
      %parallel_loop3A_119 = vector.shape_cast %parallel_loop3A_112 : vector<16xf32> to vector<1x1x16xf32>
      tpu.vector_store %arg6[%parallel_loop3A_114, %parallel_loop3A_115, %parallel_loop3A_116], %parallel_loop3A_119 {strides = array<i32>} : memref<2x256x128xf32, #tpu.memory_space<vmem>>, vector<1x1x16xf32>,
      %parallel_loop3A_120 = arith.constant 1 : i32
      %parallel_loop3A_121 = arith.index_cast %parallel_loop3A_120 : i32 to index
      %parallel_loop3A_122 = arith.index_cast %parallel_loop3A_87 : i32 to index
      %parallel_loop3A_123 = arith.constant 32 : index
      %parallel_loop3A_124 = tpu.vector_load %arg6[%parallel_loop3A_121, %parallel_loop3A_122, %parallel_loop3A_123] {strides = array<i32>} : memref<2x256x128xf32, #tpu.memory_space<vmem>>, vector<1x1x16xf32>,
      %parallel_loop3A_125 = vector.shape_cast %parallel_loop3A_124 : vector<1x1x16xf32> to vector<16xf32>
      %parallel_loop3A_126 = arith.constant 11.3137083 : f32
      %parallel_loop3A_127 = vector.broadcast %parallel_loop3A_126 : f32 to vector<16xf32>
      %parallel_loop3A_128 = arith.mulf %parallel_loop3A_125, %parallel_loop3A_127 : vector<16xf32>
      %parallel_loop3A_129 = arith.constant 1 : i32
      %parallel_loop3A_130 = arith.index_cast %parallel_loop3A_129 : i32 to index
      %parallel_loop3A_131 = arith.index_cast %parallel_loop3A_87 : i32 to index
      %parallel_loop3A_132 = arith.constant 32 : index
      %parallel_loop3A_133 = tpu.vector_load %arg6[%parallel_loop3A_130, %parallel_loop3A_131, %parallel_loop3A_132] {strides = array<i32>} : memref<2x256x128xf32, #tpu.memory_space<vmem>>, vector<1x1x16xf32>,
      %parallel_loop3A_134 = vector.shape_cast %parallel_loop3A_133 : vector<1x1x16xf32> to vector<16xf32>
      %parallel_loop3A_135 = vector.shape_cast %parallel_loop3A_128 : vector<16xf32> to vector<1x1x16xf32>
      tpu.vector_store %arg6[%parallel_loop3A_130, %parallel_loop3A_131, %parallel_loop3A_132], %parallel_loop3A_135 {strides = array<i32>} : memref<2x256x128xf32, #tpu.memory_space<vmem>>, vector<1x1x16xf32>,
      %parallel_loop3A_136 = arith.constant 1 : i32
      %parallel_loop3A_137 = arith.index_cast %parallel_loop3A_136 : i32 to index
      %parallel_loop3A_138 = arith.index_cast %parallel_loop3A_87 : i32 to index
      %parallel_loop3A_139 = arith.constant 48 : index
      %parallel_loop3A_140 = tpu.vector_load %arg6[%parallel_loop3A_137, %parallel_loop3A_138, %parallel_loop3A_139] {strides = array<i32>} : memref<2x256x128xf32, #tpu.memory_space<vmem>>, vector<1x1x16xf32>,
      %parallel_loop3A_141 = vector.shape_cast %parallel_loop3A_140 : vector<1x1x16xf32> to vector<16xf32>
      %parallel_loop3A_142 = arith.constant 11.3137083 : f32
      %parallel_loop3A_143 = vector.broadcast %parallel_loop3A_142 : f32 to vector<16xf32>
      %parallel_loop3A_144 = arith.mulf %parallel_loop3A_141, %parallel_loop3A_143 : vector<16xf32>
      %parallel_loop3A_145 = arith.constant 1 : i32
      %parallel_loop3A_146 = arith.index_cast %parallel_loop3A_145 : i32 to index
      %parallel_loop3A_147 = arith.index_cast %parallel_loop3A_87 : i32 to index
      %parallel_loop3A_148 = arith.constant 48 : index
      %parallel_loop3A_149 = tpu.vector_load %arg6[%parallel_loop3A_146, %parallel_loop3A_147, %parallel_loop3A_148] {strides = array<i32>} : memref<2x256x128xf32, #tpu.memory_space<vmem>>, vector<1x1x16xf32>,
      %parallel_loop3A_150 = vector.shape_cast %parallel_loop3A_149 : vector<1x1x16xf32> to vector<16xf32>
      %parallel_loop3A_151 = vector.shape_cast %parallel_loop3A_144 : vector<16xf32> to vector<1x1x16xf32>
      tpu.vector_store %arg6[%parallel_loop3A_146, %parallel_loop3A_147, %parallel_loop3A_148], %parallel_loop3A_151 {strides = array<i32>} : memref<2x256x128xf32, #tpu.memory_space<vmem>>, vector<1x1x16xf32>,
      %parallel_loop3A_152 = arith.constant 1 : i32
      %parallel_loop3A_153 = arith.index_cast %parallel_loop3A_152 : i32 to index
      %parallel_loop3A_154 = arith.index_cast %parallel_loop3A_87 : i32 to index
      %parallel_loop3A_155 = arith.constant 64 : index
      %parallel_loop3A_156 = tpu.vector_load %arg6[%parallel_loop3A_153, %parallel_loop3A_154, %parallel_loop3A_155] {strides = array<i32>} : memref<2x256x128xf32, #tpu.memory_space<vmem>>, vector<1x1x16xf32>,
      %parallel_loop3A_157 = vector.shape_cast %parallel_loop3A_156 : vector<1x1x16xf32> to vector<16xf32>
      %parallel_loop3A_158 = arith.constant 11.3137083 : f32
      %parallel_loop3A_159 = vector.broadcast %parallel_loop3A_158 : f32 to vector<16xf32>
      %parallel_loop3A_160 = arith.mulf %parallel_loop3A_157, %parallel_loop3A_159 : vector<16xf32>
      %parallel_loop3A_161 = arith.constant 1 : i32
      %parallel_loop3A_162 = arith.index_cast %parallel_loop3A_161 : i32 to index
      %parallel_loop3A_163 = arith.index_cast %parallel_loop3A_87 : i32 to index
      %parallel_loop3A_164 = arith.constant 64 : index
      %parallel_loop3A_165 = tpu.vector_load %arg6[%parallel_loop3A_162, %parallel_loop3A_163, %parallel_loop3A_164] {strides = array<i32>} : memref<2x256x128xf32, #tpu.memory_space<vmem>>, vector<1x1x16xf32>,
      %parallel_loop3A_166 = vector.shape_cast %parallel_loop3A_165 : vector<1x1x16xf32> to vector<16xf32>
      %parallel_loop3A_167 = vector.shape_cast %parallel_loop3A_160 : vector<16xf32> to vector<1x1x16xf32>
      tpu.vector_store %arg6[%parallel_loop3A_162, %parallel_loop3A_163, %parallel_loop3A_164], %parallel_loop3A_167 {strides = array<i32>} : memref<2x256x128xf32, #tpu.memory_space<vmem>>, vector<1x1x16xf32>,
      %parallel_loop3A_168 = arith.constant 1 : i32
      %parallel_loop3A_169 = arith.index_cast %parallel_loop3A_168 : i32 to index
      %parallel_loop3A_170 = arith.index_cast %parallel_loop3A_87 : i32 to index
      %parallel_loop3A_171 = arith.constant 80 : index
      %parallel_loop3A_172 = tpu.vector_load %arg6[%parallel_loop3A_169, %parallel_loop3A_170, %parallel_loop3A_171] {strides = array<i32>} : memref<2x256x128xf32, #tpu.memory_space<vmem>>, vector<1x1x16xf32>,
      %parallel_loop3A_173 = vector.shape_cast %parallel_loop3A_172 : vector<1x1x16xf32> to vector<16xf32>
      %parallel_loop3A_174 = arith.constant 11.3137083 : f32
      %parallel_loop3A_175 = vector.broadcast %parallel_loop3A_174 : f32 to vector<16xf32>
      %parallel_loop3A_176 = arith.mulf %parallel_loop3A_173, %parallel_loop3A_175 : vector<16xf32>
      %parallel_loop3A_177 = arith.constant 1 : i32
      %parallel_loop3A_178 = arith.index_cast %parallel_loop3A_177 : i32 to index
      %parallel_loop3A_179 = arith.index_cast %parallel_loop3A_87 : i32 to index
      %parallel_loop3A_180 = arith.constant 80 : index
      %parallel_loop3A_181 = tpu.vector_load %arg6[%parallel_loop3A_178, %parallel_loop3A_179, %parallel_loop3A_180] {strides = array<i32>} : memref<2x256x128xf32, #tpu.memory_space<vmem>>, vector<1x1x16xf32>,
      %parallel_loop3A_182 = vector.shape_cast %parallel_loop3A_181 : vector<1x1x16xf32> to vector<16xf32>
      %parallel_loop3A_183 = vector.shape_cast %parallel_loop3A_176 : vector<16xf32> to vector<1x1x16xf32>
      tpu.vector_store %arg6[%parallel_loop3A_178, %parallel_loop3A_179, %parallel_loop3A_180], %parallel_loop3A_183 {strides = array<i32>} : memref<2x256x128xf32, #tpu.memory_space<vmem>>, vector<1x1x16xf32>,
      %parallel_loop3A_184 = arith.constant 1 : i32
      %parallel_loop3A_185 = arith.index_cast %parallel_loop3A_184 : i32 to index
      %parallel_loop3A_186 = arith.index_cast %parallel_loop3A_87 : i32 to index
      %parallel_loop3A_187 = arith.constant 96 : index
      %parallel_loop3A_188 = tpu.vector_load %arg6[%parallel_loop3A_185, %parallel_loop3A_186, %parallel_loop3A_187] {strides = array<i32>} : memref<2x256x128xf32, #tpu.memory_space<vmem>>, vector<1x1x16xf32>,
      %parallel_loop3A_189 = vector.shape_cast %parallel_loop3A_188 : vector<1x1x16xf32> to vector<16xf32>
      %parallel_loop3A_190 = arith.constant 11.3137083 : f32
      %parallel_loop3A_191 = vector.broadcast %parallel_loop3A_190 : f32 to vector<16xf32>
      %parallel_loop3A_192 = arith.mulf %parallel_loop3A_189, %parallel_loop3A_191 : vector<16xf32>
      %parallel_loop3A_193 = arith.constant 1 : i32
      %parallel_loop3A_194 = arith.index_cast %parallel_loop3A_193 : i32 to index
      %parallel_loop3A_195 = arith.index_cast %parallel_loop3A_87 : i32 to index
      %parallel_loop3A_196 = arith.constant 96 : index
      %parallel_loop3A_197 = tpu.vector_load %arg6[%parallel_loop3A_194, %parallel_loop3A_195, %parallel_loop3A_196] {strides = array<i32>} : memref<2x256x128xf32, #tpu.memory_space<vmem>>, vector<1x1x16xf32>,
      %parallel_loop3A_198 = vector.shape_cast %parallel_loop3A_197 : vector<1x1x16xf32> to vector<16xf32>
      %parallel_loop3A_199 = vector.shape_cast %parallel_loop3A_192 : vector<16xf32> to vector<1x1x16xf32>
      tpu.vector_store %arg6[%parallel_loop3A_194, %parallel_loop3A_195, %parallel_loop3A_196], %parallel_loop3A_199 {strides = array<i32>} : memref<2x256x128xf32, #tpu.memory_space<vmem>>, vector<1x1x16xf32>,
      %parallel_loop3A_200 = arith.constant 1 : i32
      %parallel_loop3A_201 = arith.index_cast %parallel_loop3A_200 : i32 to index
      %parallel_loop3A_202 = arith.index_cast %parallel_loop3A_87 : i32 to index
      %parallel_loop3A_203 = arith.constant 112 : index
      %parallel_loop3A_204 = tpu.vector_load %arg6[%parallel_loop3A_201, %parallel_loop3A_202, %parallel_loop3A_203] {strides = array<i32>} : memref<2x256x128xf32, #tpu.memory_space<vmem>>, vector<1x1x16xf32>,
      %parallel_loop3A_205 = vector.shape_cast %parallel_loop3A_204 : vector<1x1x16xf32> to vector<16xf32>
      %parallel_loop3A_206 = arith.constant 11.3137083 : f32
      %parallel_loop3A_207 = vector.broadcast %parallel_loop3A_206 : f32 to vector<16xf32>
      %parallel_loop3A_208 = arith.mulf %parallel_loop3A_205, %parallel_loop3A_207 : vector<16xf32>
      %parallel_loop3A_209 = arith.constant 1 : i32
      %parallel_loop3A_210 = arith.index_cast %parallel_loop3A_209 : i32 to index
      %parallel_loop3A_211 = arith.index_cast %parallel_loop3A_87 : i32 to index
      %parallel_loop3A_212 = arith.constant 112 : index
      %parallel_loop3A_213 = tpu.vector_load %arg6[%parallel_loop3A_210, %parallel_loop3A_211, %parallel_loop3A_212] {strides = array<i32>} : memref<2x256x128xf32, #tpu.memory_space<vmem>>, vector<1x1x16xf32>,
      %parallel_loop3A_214 = vector.shape_cast %parallel_loop3A_213 : vector<1x1x16xf32> to vector<16xf32>
      %parallel_loop3A_215 = vector.shape_cast %parallel_loop3A_208 : vector<16xf32> to vector<1x1x16xf32>
      tpu.vector_store %arg6[%parallel_loop3A_210, %parallel_loop3A_211, %parallel_loop3A_212], %parallel_loop3A_215 {strides = array<i32>} : memref<2x256x128xf32, #tpu.memory_space<vmem>>, vector<1x1x16xf32>,
    } {sc.loop_unroll_factor = 4 : i64, sc.parallel_access}
    %add3A_41 = arith.constant 198 : i32
    %add3A_42 = arith.addi %mul3A_4, %add3A_41 : i32
    %mul3A_43 = arith.constant 128 : i32
    %mul3A_44 = arith.muli %add3A_42, %mul3A_43 : i32
    %dma_start3A = arith.constant 1 : i32
    %dma_start3A_45 = arith.constant 0 : i32
    %dma_start3A_46 = arith.constant 0 : i32
    %dma_start3A_47 = tpu.memref_slice %arg6[%dma_start3A, %dma_start3A_45, %dma_start3A_46] : memref<2x256x128xf32, #tpu.memory_space<vmem>> -> memref<1x256x128xf32, #tpu.memory_space<vmem>>
    %dma_start3A_48 = tpu.memref_squeeze %dma_start3A_47 : memref<1x256x128xf32, #tpu.memory_space<vmem>> -> memref<256x128xf32, #tpu.memory_space<vmem>>
    %dma_start3A_49 = arith.constant 0 : i32
    %dma_start3A_50 = tpu.memref_slice %arg4[%mul3A_44, %dma_start3A_49] : memref<819200x128xf32, #tpu.memory_space<hbm>> -> memref<256x128xf32, #tpu.memory_space<hbm>>
    %dma_start3A_51 = arith.constant 0 : i32
    %dma_start3A_52 = tpu.memref_slice %arg4[%mul3A_44, %dma_start3A_51] : memref<819200x128xf32, #tpu.memory_space<hbm>> -> memref<256x128xf32, #tpu.memory_space<hbm>>
    %dma_start3A_53 = arith.constant 0 : i32
    %dma_start3A_54 = arith.constant 0 : i32
    %dma_start3A_55 = tpu.memref_slice %arg6[%dma_start3A, %dma_start3A_53, %dma_start3A_54] : memref<2x256x128xf32, #tpu.memory_space<vmem>> -> memref<1x256x128xf32, #tpu.memory_space<vmem>>
    %dma_start3A_56 = tpu.memref_squeeze %dma_start3A_55 : memref<1x256x128xf32, #tpu.memory_space<vmem>> -> memref<256x128xf32, #tpu.memory_space<vmem>>
    tpu.enqueue_dma source(%dma_start3A_56 : memref<256x128xf32, #tpu.memory_space<vmem>>) target(%dma_start3A_52 : memref<256x128xf32, #tpu.memory_space<hbm>>) target_semaphore(%arg12 : memref<!tpu.dma_semaphore, #tpu.memory_space<semaphore_mem>>)
    %dma_wait3A_57 = arith.constant 0 : i32
    %dma_wait3A_58 = arith.constant 0 : i32
    %dma_wait3A_59 = arith.constant 0 : i32
    %dma_wait3A_60 = tpu.memref_slice %arg6[%dma_wait3A_57, %dma_wait3A_58, %dma_wait3A_59] : memref<2x256x128xf32, #tpu.memory_space<vmem>> -> memref<1x256x128xf32, #tpu.memory_space<vmem>>
    %dma_wait3A_61 = tpu.memref_squeeze %dma_wait3A_60 : memref<1x256x128xf32, #tpu.memory_space<vmem>> -> memref<256x128xf32, #tpu.memory_space<vmem>>
    %dma_wait3A_62 = arith.constant 0 : i32
    %dma_wait3A_63 = arith.constant 0 : i32
    %dma_wait3A_64 = tpu.memref_slice %arg4[%dma_wait3A_62, %dma_wait3A_63] : memref<819200x128xf32, #tpu.memory_space<hbm>> -> memref<256x128xf32, #tpu.memory_space<hbm>>
    %dma_wait3A_65 = arith.constant 0 : i32
    %dma_wait3A_66 = arith.constant 0 : i32
    %dma_wait3A_67 = tpu.memref_slice %arg4[%dma_wait3A_65, %dma_wait3A_66] : memref<819200x128xf32, #tpu.memory_space<hbm>> -> memref<256x128xf32, #tpu.memory_space<hbm>>
    %dma_wait3A_68 = arith.constant 0 : i32
    %dma_wait3A_69 = arith.constant 0 : i32
    %dma_wait3A_70 = tpu.memref_slice %arg6[%dma_wait3A_57, %dma_wait3A_68, %dma_wait3A_69] : memref<2x256x128xf32, #tpu.memory_space<vmem>> -> memref<1x256x128xf32, #tpu.memory_space<vmem>>
    %dma_wait3A_71 = tpu.memref_squeeze %dma_wait3A_70 : memref<1x256x128xf32, #tpu.memory_space<vmem>> -> memref<256x128xf32, #tpu.memory_space<vmem>>
    tpu.wait_dma2 semaphore(%arg11 : memref<!tpu.dma_semaphore, #tpu.memory_space<semaphore_mem>>) src(%dma_wait3A_71 : memref<256x128xf32, #tpu.memory_space<vmem>>) dst(%dma_wait3A_67 : memref<256x128xf32, #tpu.memory_space<hbm>>)
    %dma_wait3A_72 = arith.constant 1 : i32
    %dma_wait3A_73 = arith.constant 0 : i32
    %dma_wait3A_74 = arith.constant 0 : i32
    %dma_wait3A_75 = tpu.memref_slice %arg6[%dma_wait3A_72, %dma_wait3A_73, %dma_wait3A_74] : memref<2x256x128xf32, #tpu.memory_space<vmem>> -> memref<1x256x128xf32, #tpu.memory_space<vmem>>
    %dma_wait3A_76 = tpu.memref_squeeze %dma_wait3A_75 : memref<1x256x128xf32, #tpu.memory_space<vmem>> -> memref<256x128xf32, #tpu.memory_space<vmem>>
    %dma_wait3A_77 = arith.constant 0 : i32
    %dma_wait3A_78 = arith.constant 0 : i32
    %dma_wait3A_79 = tpu.memref_slice %arg4[%dma_wait3A_77, %dma_wait3A_78] : memref<819200x128xf32, #tpu.memory_space<hbm>> -> memref<256x128xf32, #tpu.memory_space<hbm>>
    %dma_wait3A_80 = arith.constant 0 : i32
    %dma_wait3A_81 = arith.constant 0 : i32
    %dma_wait3A_82 = tpu.memref_slice %arg4[%dma_wait3A_80, %dma_wait3A_81] : memref<819200x128xf32, #tpu.memory_space<hbm>> -> memref<256x128xf32, #tpu.memory_space<hbm>>
    %dma_wait3A_83 = arith.constant 0 : i32
    %dma_wait3A_84 = arith.constant 0 : i32
    %dma_wait3A_85 = tpu.memref_slice %arg6[%dma_wait3A_72, %dma_wait3A_83, %dma_wait3A_84] : memref<2x256x128xf32, #tpu.memory_space<vmem>> -> memref<1x256x128xf32, #tpu.memory_space<vmem>>
    %dma_wait3A_86 = tpu.memref_squeeze %dma_wait3A_85 : memref<1x256x128xf32, #tpu.memory_space<vmem>> -> memref<256x128xf32, #tpu.memory_space<vmem>>
    tpu.wait_dma2 semaphore(%arg12 : memref<!tpu.dma_semaphore, #tpu.memory_space<semaphore_mem>>) src(%dma_wait3A_86 : memref<256x128xf32, #tpu.memory_space<vmem>>) dst(%dma_wait3A_82 : memref<256x128xf32, #tpu.memory_space<hbm>>)
    return
  }
}

</mosaic_0001>

<sc_bundles>
// kernel: kernel.3.cloned.1.call-start
scs
__scs_entry_jumppad:
0x0: {  	(pc) =	sbr.rel $0x88, $3  }
0x1: {  	(tag) =	ssettag $0x0;
	lr =	simm.s32 $0x1  }
0x2: {  	[smem:$0x3F9F] =	sst lr;
	_ =	strace $0xD0000000  }
0x3: {  	_ = 	snop  }
0x4: {  	_ = 	snop  }
0x5: {  	_ = 	snop  }
0x6: {  	_ = 	snop  }
0x7: {  	_ = 	snop  }
__scs_overlays_trampoline_lowered:
0x8: {  	[smem:$0x3FAE] =	sst s0  }
0x9: {  	[smem:$0x3FAF] =	sst s1  }
0xa: {  	[smem:$0x3FB0] =	sst s2  }
0xb: {  	[smem:$0x3FB1] =	sst s3  }
0xc: {  	[smem:$0x3FB2] =	sst s4  }
0xd: {  	[smem:$0x3FB3] =	sst s5  }
0xe: {  	[smem:$0x3FB4] =	sst s6  }
0xf: {  	[smem:$0x3FB5] =	sst s7  }
0x10: {  	[smem:$0x3FB6] =	sst s8  }
0x11: {  	[smem:$0x3FB7] =	sst s9;
	s0 =	simm.s32 @!p0 $0x0  }
0x12: {  	s1 =	sld [smem:$0x3F9D];
	s0 =	simm.s32 @p0 $0x1  }
0x13: {  	[smem:$0x3FB8] =	sst s0;
	s0 =	simm.s32 @!p1 $0x0  }
0x14: {  	s2 =	sld [smem:$0x3F9C];
	s0 =	simm.s32 @p1 $0x1  }
0x15: {  	[smem:$0x3FB9] =	sst s0;
	s0 =	simm.s32 @!p2 $0x0  }
0x16: {  	s3 =	sld [smem:$0x3FDB];
	s0 =	simm.s32 @p2 $0x1  }
0x17: {  	s4 =	simm.s32 $0x1BF5;
	[smem:$0x3FBB] =	sst s0  }
0x18: {  	s0 =	sld [smem:$0x3F9E];
	_ =	swait.ge [sflag:s4], $0x0  }
0x19: {  	s7 =	sld [smem:$0x3F9F]  }
0x1a: {  	s8 =	sadd.s32 $0xFFFFE003, lr  }
0x1b: {  	s9 =	sadd.s32 $0xFFFFFEF7, lr;
	s5 =	simm.s32 $0xFFFFFFFF;
	p2 =	slt.u32 s8, $0xFFFFF086  }
0x1c: {  	p1 =	slt.u32 s9, $0xF7A;
	s5 =	simm.s32 @!p2 $0x0  }
0x1d: {  	s5 =	simm.s32 @p1 $0x1;
	p0 =	seq.s32 s7, s2  }
0x1e: {  	s7 =	smul.u32 @!p0 $0xF7A, s2;
	p2 =	seq.s32 @!p0 s5, $0x0  }
0x1f: {  	s9 =	smul.u32 $0xF7A, s1;
	s8 =	simm.s32 @!p0 $0x1BF5;
	p2 =	por !p2, p0  }
0x20: {  	[sflag:s8] =	ssyncset.s32 @!p0 $0xFFFFF086;
	s6 =	sadd.s32 @!p0 s3, s7;
	s7 =	simm.s32 @!p0 $0x108  }
0x21: {  	s3 =	sadd.s32 s3, s9;
	s6 =	sadd.s32 @!p0 $0x88, s6;
	s7 =	simm.s32 @p2 $0x1082  }
0x22: {  	[simem:s7], [sflag:s8] =	dma.local @!p0 [hbm:s6], $0xF7A  }
0x23: {  	s9 =	sor.u32 $0xD0000000, s2;
	s6 =	simm.s32 $0x108;
	_ =	swait.ge @!p0 [sflag:s8], $0x0  }
0x24: {  	s3 =	sadd.s32 $0x88, s3;
	s6 =	simm.s32 @!p1 $0x1082;
	[sflag:s4] =	ssyncset.s32 $0xFFFFF086  }
0x25: {  	[simem:s6], [sflag:s4] =	dma.local [hbm:s3], $0xF7A  }
0x26: {  	[smem:$0x3F9F] =	sst s1;
	(tag) =	ssettag s2;
	_ =	strace s9  }
0x27: {  	s1 =	sld [smem:$0x3FAF]  }
0x28: {  	s2 =	sld [smem:$0x3FB0]  }
0x29: {  	s4 =	sld [smem:$0x3FB2]  }
0x2a: {  	p0 =	seq.s32 s5, $0x0;
	s5 =	sld [smem:$0x3FB3]  }
0x2b: {  	s6 =	sld [smem:$0x3FB4]  }
0x2c: {  	s7 =	sld [smem:$0x3FB5]  }
0x2d: {  	s3 =	simm.s32 $0x108;
	s8 =	sld [smem:$0x3FB6]  }
0x2e: {  	s3 =	simm.s32 @!p0 $0x1082;
	s9 =	sld [smem:$0x3FB7]  }
0x2f: {  	lr =	sadd.s32 s0, s3;
	s0 =	sld [smem:$0x3FAE]  }
0x30: {  	s3 =	sld [smem:$0x3FB1]  }
0x31: {  	[smem:$0x3FBA] =	sst s10  }
0x32: {  	s10 =	sld [smem:$0x3FB8];
	_ =	sdelay $0x3  }
0x33: {  	p0 =	seq.s32 s10, $0x1;
	s10 =	sld [smem:$0x3FBA];
	_ =	sdelay $0x3  }
0x34: {  	[smem:$0x3FBA] =	sst s10  }
0x35: {  	s10 =	sld [smem:$0x3FB9];
	_ =	sdelay $0x3  }
0x36: {  	p1 =	seq.s32 s10, $0x1;
	s10 =	sld [smem:$0x3FBA];
	_ =	sdelay $0x3  }
0x37: {  	[smem:$0x3FBA] =	sst s10  }
0x38: {  	s10 =	sld [smem:$0x3FBB]  }
0x39: {  	_ = 	snop;
	(pc) =	sbr.ind lr, $3  }
0x3a: {  	_ = 	snop  }
0x3b: {  	_ = 	snop  }
0x3c: {  	p2 =	seq.s32 s10, $0x1;
	s10 =	sld [smem:$0x3FBA]  }
0x3d: {  	_ =	shalt  }
0x3e: {  	_ =	shalt  }
0x3f: {  	_ =	shalt  }
0x40: {  	_ =	shalt  }
0x41: {  	_ =	shalt  }
0x42: {  	_ =	shalt  }
0x43: {  	_ =	shalt  }
0x44: {  	_ =	shalt  }
0x45: {  	_ =	shalt  }
0x46: {  	_ =	shalt  }
0x47: {  	_ =	shalt  }
0x48: {  	_ =	shalt  }
0x49: {  	_ =	shalt  }
0x4a: {  	_ =	shalt  }
0x4b: {  	_ =	shalt  }
0x4c: {  	_ =	shalt  }
0x4d: {  	_ =	shalt  }
0x4e: {  	_ =	shalt  }
0x4f: {  	_ =	shalt  }
0x50: {  	_ =	shalt  }
0x51: {  	_ =	shalt  }
0x52: {  	_ =	shalt  }
0x53: {  	_ =	shalt  }
0x54: {  	_ =	shalt  }
0x55: {  	_ =	shalt  }
0x56: {  	_ =	shalt  }
0x57: {  	_ =	shalt  }
0x58: {  	_ =	shalt  }
0x59: {  	_ =	shalt  }
0x5a: {  	_ =	shalt  }
0x5b: {  	_ =	shalt  }
0x5c: {  	_ =	shalt  }
0x5d: {  	_ =	shalt  }
0x5e: {  	_ =	shalt  }
0x5f: {  	_ =	shalt  }
0x60: {  	_ =	shalt  }
0x61: {  	_ =	shalt  }
0x62: {  	_ =	shalt  }
0x63: {  	_ =	shalt  }
0x64: {  	_ =	shalt  }
0x65: {  	_ =	shalt  }
0x66: {  	_ =	shalt  }
0x67: {  	_ =	shalt  }
0x68: {  	_ =	shalt  }
0x69: {  	_ =	shalt  }
0x6a: {  	_ =	shalt  }
0x6b: {  	_ =	shalt  }
0x6c: {  	_ =	shalt  }
0x6d: {  	_ =	shalt  }
0x6e: {  	_ =	shalt  }
0x6f: {  	_ =	shalt  }
0x70: {  	_ =	shalt  }
0x71: {  	_ =	shalt  }
0x72: {  	_ =	shalt  }
0x73: {  	_ =	shalt  }
0x74: {  	_ =	shalt  }
0x75: {  	_ =	shalt  }
0x76: {  	_ =	shalt  }
0x77: {  	_ =	shalt  }
0x78: {  	_ =	shalt  }
0x79: {  	_ =	shalt  }
0x7a: {  	_ =	shalt  }
0x7b: {  	_ =	shalt  }
0x7c: {  	_ =	shalt  }
0x7d: {  	_ =	shalt  }
0x7e: {  	_ =	shalt  }
0x7f: {  	_ =	shalt  }
0x80: {  	_ =	shalt  }
0x81: {  	_ =	shalt  }
0x82: {  	_ =	shalt  }
0x83: {  	_ =	shalt  }
0x84: {  	_ =	shalt  }
0x85: {  	_ =	shalt  }
0x86: {  	_ =	shalt  }
0x87: {  	_ =	shalt  }
.Lfunc_end0:
.L_simem_size_0:
called_computation_lowered:
.L_overlay_start_0:
0x88: {  	s2 =	sld [smem:$0x3FD9]  }
0x89: {  	s3 =	sld [smem:$0x3FFE];
	_ =	sdelay $0x1  }
0x8a: {  	s1 =	srdreg.scid  }
0x8b: {  	s0 =	sand.u32 $0x1, s1  }
0x8c: {  	s17 =	sshll.u32 s0, $0xA;
	s2 =	sadd.s32 s3, s2  }
0x8d: {  	s2 =	sadd.s32 s2, s17  }
0x8e: {  	[smem:$0x3FC6] =	sst s2  }
0x8f: {  	_ = 	snop  }
0x90: {  	s2 =	sld [smem:$0x3FC8]  }
0x91: {  	s18 =	sld [smem:$0x3FD0];
	(tm) =	ssettm $0x1  }
0x92: {  	s4 =	sld [smem:$0x3FFB];
	_ =	sdelay $0x3  }
0x93: {  	_ =	strace s4  }
0x94: {  	s4 =	sld [smem:$0x3FFC];
	_ =	sdelay $0x3  }
0x95: {  	_ =	strace s4  }
0x96: {  	s4 =	sld [smem:$0x3FFD];
	_ =	sdelay $0x3  }
0x97: {  	_ =	strace s4  }
0x98: {  	_ =	strace $0x8FFFFFFF  }
0x99: {  	s19 =	sld [smem:$0x3FDB];
	_ =	sdelay $0x1  }
0x9a: {  	s5 =	simm.s32 $_scs_section_size  }
0x9b: {  	s6 =	simm.s32 $_size__tile_overlayer_lowered;
	s7 =	simm.s32 $_tile_overlayer_lowered  }
0x9c: {  	s22 =	simm.s32 $0x1BFF;
	s21 =	sshll.u32 s7, $0x1;
	s4 =	sadd.s32 s5, s19  }
0x9d: {  	s8 =	simm.s32 $0x0;
	s20 =	sshll.u32 s6, $0x1;
	s6 =	sadd.s32 s21, s4  }
0x9e: {  	[timem:s8], [sflag:s22] =	dma.local [hbm:s6], s20  }
0x9f: {  	_ =	swait.ge [sflag:s22], s20  }
0xa0: {  	s5 =	ssub.s32 $0x0, s20;
	[sflag:s22] =	ssyncset.done $0x0  }
0xa1: {  	[sflag:s22] =	ssyncadd.s32 s5;
	_ =	sdelay $0x1  }
0xa2: {  	s23 =	simm.s32 $0x1B8B  }
0xa3: {  	_ =	swait.ge [sflag:s23], $0x1  }
0xa4: {  	[sflag:s23] =	ssyncset.done $0x0  }
0xa5: {  	s25 =	simm.s32 $0x1B8E;
	s24 =	sld [smem:$0x3FFE];
	[sflag:s23] =	ssyncadd.s32 $0xFFFFFFFF  }
0xa6: {  	s26 =	simm.s32 $execute0_lowered;
	[smem:$0x3FD2] =	sst s25  }
0xa7: {  	s6 =	sshll.u32 s26, $0x1;
	_ =	strace $0x80000046;
	[dreg:$0x1] =	wrdreg $0xFFFFFFFF  }
0xa8: {  	s28 =	simm.s32 $_size_execute0_lowered;
	s4 =	sadd.s32 s4, s6;
	[dreg:$0x0] =	wrdreg $0x0  }
0xa9: {  	s6 =	sshll.u32 s28, $0x1;
	[dreg:$0x2] =	wrdreg s4  }
0xaa: {  	[dreg:$0x3] =	wrdreg s6  }
0xab: {  	[dreg:$0x4] =	wrdreg $0xC0  }
0xac: {  	_ =	task [dreg:s8], $0x5FFFF  }
0xad: {  	[dreg:$0x1] =	wrdreg $0xFFFFFFFF  }
0xae: {  	[dreg:$0x0] =	wrdreg $0x60  }
0xaf: {  	[dreg:$0x2] =	wrdreg s2  }
0xb0: {  	[dreg:$0x3] =	wrdreg s24  }
0xb1: {  	[dreg:$0x4] =	wrdreg s18  }
0xb2: {  	[dreg:$0x5] =	wrdreg $0x9  }
0xb3: {  	_ =	task.clear_ibuf [dreg:s8], $0x6FFFF;
	_ =	strace $0x90000046  }
0xb4: {  	s29 =	simm.s32 $0x9;
	_ =	strace $0x80000048  }
0xb5: {  	_ =	swait.ge [sflag:s29], $0x1  }
0xb6: {  	[sflag:s29] =	ssyncadd.s32 $0xFFFFFFFF  }
0xb7: {  	_ =	strace $0x90000048  }
0xb8: {  	_ =	sfence  }
0xb9: {  	s30 =	sld [smem:$0x0];
	_ =	sdelay $0x2  }
0xba: {  	s31 =	sshll.u32 s1, $0xD;
	s1 =	sshrl.u32 s1, $0x2  }
0xbb: {  	s3 =	sand.u32 $0x4000, s31;
	s1 =	sadd.s32 s1, s30  }
0xbc: {  	s0 =	sor.u32 s3, s0;
	s1 =	sshll.u32 s1, $0x11  }
0xbd: {  	s0 =	sor.u32 s1, s0  }
0xbe: {  	s0 =	sadd.s32 $0x8F2B, s0  }
0xbf: {  	[sflag:s0] =	ssyncadd.remote.s32 $0x1  }
0xc0: {  	_ =	sfence.sel $0xFFFF  }
0xc1: {  	[dreg:$0x0] =	wrdreg $0xFFFFFFFF;
	(pc) =	sbr.abs _section_cstart, $3  }
0xc2: {  	[dreg:$0x1] =	wrdreg $0xFFFFFFFF  }
0xc3: {  	_ =	task.clear_ibuf [dreg:s8], $0x2FFFF;
	_ =	strace $0x9FFFFFFF  }
0xc4: {  	(tm) =	ssettm $0x7FFFFFFF  }
0xc5: {  	_ =	shalt  }
tec
execute0_lowered:
.L_overlay_start_1:
0x0: {  	(tag) =	ssettag $0x1  }
0x1: {  	s1 =	rddreg [dreg:$0x0]  }
0x2: {  	s2 =	srdreg.scid;
	s6 =	rddreg [dreg:$0x1]  }
0x3: {  	s0 =	stileid.u32;
	s3 =	rddreg [dreg:$0x2]  }
0x4: {  	s4 =	simm.s32 $0x0;
	s12 =	simm.s32 $0x6400;
	s13 =	simm.s32 $0xA400  }
0x5: {  	s14 =	simm.s32 $0xE400;
	s15 =	simm.s32 $0x12400;
	s16 =	simm.s32 $0x1  }
0x6: {  	s17 =	simm.s32 $0x2;
	s18 =	simm.s32 $0x3;
	s19 =	simm.s32 $0x4  }
0x7: {  	s20 =	simm.s32 $0x5;
	s7 =	sand.u32 $0x1, s2;
	s29 =	sshll.u32 s0, $0x1  }
0x8: {  	s21 =	simm.s32 $0x6;
	s22 =	simm.s32 $0x0;
	s8 =	sor.u32 s7, s29  }
0x9: {  	s2 =	rddreg [dreg:$0x3];
	s7 =	ssub.s32 $0x2, s7;
	s9 =	smul.u32 $0xC80, s8  }
0xa: {  	[smem:$0x7FF] =	sst s4;
	s5 =	smul.u32 $0x320000, s8;
	s10 =	sshrl.u32 s7, $0x1  }
0xb: {  	_ =	strace $0x80000047;
	s11 =	smul.u32 $0x64000, s8;
	s31 =	ssub.s32 s7, s10  }
0xc: {  	s10 =	simm.s32 $0x7;
	s6 =	sadd.s32 s9, s6;
	s30 =	sshrl.u32 s5, $0x3  }
0xd: {  	s8 =	smax.u32 s31, $0x1;
	s9 =	sadd.s32 s3, s30;
	s6 =	sadd.s32 $0x400, s6  }
0xe: {  	s7 =	sadd.s32 $0x63000, s9;
	s9 =	sadd.s32 $0x1FFFF000, s11;
	s11 =	simm.s32 $0x80  }
.LBB2_1:
0xf: {  	[tilespmem:s4], [sflag:$0x7] =	stream.linear.gather [hbm4b:s6+s4], $0x6400, $0x38;
	[tilespmem:$0x16400] =	vst v63  }
0x10: {  	_ =	swait.ge [sflag:s10], $0x6400  }
0x11: {  	[sflag:s10] =	ssyncset.done $0x0  }
0x12: {  	s23 =	simm.s32 $0x0;
	[sflag:s10] =	ssyncadd.s32 $0xFFFF9C00  }
.LBB2_2:
0x13: {  	p0 =	sne.s32 s23, $0x0  }
.Ltmp0:
0x14: {  	_ = 	snop;
	(pc) =	sbr.rel @!p0 .LBB2_3-.Ltmp0, $1  }
0x15: {  	_ =	sdelay $0x3  }
0x16: {  	_ =	swait.ge [sflag:s20], $0x8000  }
0x17: {  	s24 =	sshll.u32 s23, $0xB;
	[sflag:s20] =	ssyncset.done $0x0  }
0x18: {  	s25 =	sshrl.u32 s24, $0x2;
	[sflag:s20] =	ssyncadd.s32 $0xFFFF8000  }
0x19: {  	[tilespmem:s12], [sflag:$0x1] =	stream.indirect.gather [hbm4b:s1+s11], $0x80, s25, s11, $0xb8;
	[tilespmem:$0x16400] =	vst v63  }
0x1a: {  	s25 =	sadd.s32 $0x80, s25  }
0x1b: {  	[tilespmem:s13], [sflag:$0x2] =	stream.indirect.gather [hbm4b:s1+s11], $0x80, s25, s11, $0xb8;
	[tilespmem:$0x16400] =	vst v63  }
0x1c: {  	_ =	swait.ge [sflag:s18], $0x4000  }
0x1d: {  	[sflag:s18] =	ssyncset.done $0x0  }
0x1e: {  	[sflag:s18] =	ssyncadd.s32 $0xFFFFC000  }
0x1f: {  	_ =	swait.ge [sflag:s19], $0x4000  }
0x20: {  	[sflag:s19] =	ssyncset.done $0x0  }
0x21: {  	s25 =	simm.s32 $0xE400;
	[sflag:s19] =	ssyncadd.s32 $0xFFFFC000  }
0x22: {  	v0 =	vld [tilespmem:s25+$0x1F0]  }
0x23: {  	v1 =	vld [tilespmem:s25+$0x10]  }
0x24: {  	v2 =	vld [tilespmem:s25+$0x20]  }
0x25: {  	v3 =	vld [tilespmem:s25+$0x30]  }
0x26: {  	v6 =	vld [tilespmem:s25+$0x60]  }
0x27: {  	v4 =	vld [tilespmem:s25+$0x40]  }
0x28: {  	v5 =	vld [tilespmem:s25+$0x50];
	v0 =	vmul.f32 $1.131370830e+01, v0  }
0x29: {  	v8 =	vld [tilespmem:s25+$0x80];
	v1 =	vmul.f32 $1.131370830e+01, v1  }
0x2a: {  	v7 =	vld [tilespmem:s25+$0x70];
	v2 =	vmul.f32 $1.131370830e+01, v2;
	[tilespmem:s25+$0x1F0] =	vst v0  }
0x2b: {  	v6 =	vmul.f32 $1.131370830e+01, v6;
	v0 =	vld [tilespmem:s25+$0x90];
	[tilespmem:s25+$0x10] =	vst v1  }
0x2c: {  	v1 =	vmul.f32 $1.131370830e+01, v3;
	v3 =	vld [tilespmem:s25+$0xA0];
	[tilespmem:s25+$0x20] =	vst v2;
	v2 =	vmul.f32 $1.131370830e+01, v4  }
0x2d: {  	[tilespmem:s25+$0x60] =	vst v6;
	v6 =	vld [tilespmem:s25+$0xF0]  }
0x2e: {  	v4 =	vld [tilespmem:s25+$0xB0];
	[tilespmem:s25+$0x40] =	vst v2;
	v2 =	vmul.f32 $1.131370830e+01, v8  }
0x2f: {  	[tilespmem:s25+$0x30] =	vst v1;
	v1 =	vmul.f32 $1.131370830e+01, v5;
	v5 =	vld [tilespmem:s25+$0xC0]  }
0x30: {  	v8 =	vld [tilespmem:s25+$0xD0];
	[tilespmem:s25+$0x80] =	vst v2;
	v2 =	vmul.f32 $1.131370830e+01, v7  }
0x31: {  	[tilespmem:s25+$0x50] =	vst v1;
	v1 =	vld [tilespmem:s25+$0xE0];
	v0 =	vmul.f32 $1.131370830e+01, v0  }
0x32: {  	v7 =	vld [tilespmem:s25+$0x130];
	v6 =	vmul.f32 $1.131370830e+01, v6;
	[tilespmem:s25+$0x70] =	vst v2  }
0x33: {  	v2 =	vmul.f32 $1.131370830e+01, v3;
	v3 =	vld [tilespmem:s25+$0x100];
	[tilespmem:s25+$0x90] =	vst v0  }
0x34: {  	v0 =	vmul.f32 $1.131370830e+01, v4;
	v4 =	vld [tilespmem:s25+$0x110];
	[tilespmem:s25+$0xF0] =	vst v6  }
0x35: {  	[tilespmem:s25+$0xA0] =	vst v2;
	v2 =	vmul.f32 $1.131370830e+01, v5;
	v5 =	vld [tilespmem:s25+$0x120]  }
0x36: {  	v6 =	vld [tilespmem:s25+$0x180];
	[tilespmem:s25+$0xB0] =	vst v0;
	v0 =	vmul.f32 $1.131370830e+01, v8  }
0x37: {  	v1 =	vmul.f32 $1.131370830e+01, v1;
	[tilespmem:s25+$0xC0] =	vst v2;
	v2 =	vld [tilespmem:s25+$0x140]  }
0x38: {  	[tilespmem:s25+$0xD0] =	vst v0;
	v0 =	vmul.f32 $1.131370830e+01, v3  }
0x39: {  	v3 =	vld [tilespmem:s25+$0x150];
	[tilespmem:s25+$0xE0] =	vst v1;
	v4 =	vmul.f32 $1.131370830e+01, v4  }
0x3a: {  	v1 =	vld [tilespmem:s25+$0x160];
	[tilespmem:s25+$0x100] =	vst v0;
	v0 =	vmul.f32 $1.131370830e+01, v5  }
0x3b: {  	v6 =	vmul.f32 $1.131370830e+01, v6;
	v5 =	vld [tilespmem:s25+$0x170];
	[tilespmem:s25+$0x110] =	vst v4  }
0x3c: {  	v4 =	vmul.f32 $1.131370830e+01, v7;
	v7 =	vld [tilespmem:s25+$0x190];
	[tilespmem:s25+$0x120] =	vst v0;
	v0 =	vmul.f32 $1.131370830e+01, v2  }
0x3d: {  	v8 =	vld [tilespmem:s25+$0x1A0];
	[tilespmem:s25+$0x180] =	vst v6  }
0x3e: {  	v2 =	vmul.f32 $1.131370830e+01, v3;
	[tilespmem:s25+$0x140] =	vst v0;
	v0 =	vld [tilespmem:s25+$0x1B0]  }
0x3f: {  	[tilespmem:s25+$0x130] =	vst v4;
	v3 =	vmul.f32 $1.131370830e+01, v1;
	v1 =	vld [tilespmem:s25+$0x1C0]  }
0x40: {  	[tilespmem:s25+$0x150] =	vst v2;
	v4 =	vmul.f32 $1.131370830e+01, v5;
	v2 =	vld [tilespmem:s25+$0x1D0]  }
0x41: {  	[tilespmem:s25+$0x160] =	vst v3;
	v3 =	vld [tilespmem:s25+$0x1E0];
	v5 =	vmul.f32 $1.131370830e+01, v7  }
0x42: {  	s26 =	simm.s32 $0x0;
	s28 =	simm.s32 $0xE600;
	v6 =	vmul.f32 $1.131370830e+01, v8;
	[tilespmem:s25+$0x170] =	vst v4;
	v4 =	vld [tilespmem:s25+$0x0]  }
.LBB2_5:
0x43: {  	v7 =	vld [tilespmem:s28+$0x1F0];
	s26 =	sadd.s32 $0x4, s26;
	[tilespmem:s25+$0x190] =	vst v5;
	v0 =	vmul.f32 $1.131370830e+01, v0  }
0x44: {  	v5 =	vld [tilespmem:s28+$0x10];
	p0 =	slt.u32 s26, $0xFC;
	[tilespmem:s25+$0x1A0] =	vst v6;
	v1 =	vmul.f32 $1.131370830e+01, v1  }
0x45: {  	v6 =	vld [tilespmem:s28+$0x20];
	[tilespmem:s25+$0x1B0] =	vst v0;
	v0 =	vmul.f32 $1.131370830e+01, v2  }
0x46: {  	v2 =	vld [tilespmem:s28+$0x30];
	[tilespmem:s25+$0x1C0] =	vst v1;
	v1 =	vmul.f32 $1.131370830e+01, v3  }
0x47: {  	v3 =	vld [tilespmem:s28+$0x40];
	v4 =	vmul.f32 $1.131370830e+01, v4;
	[tilespmem:s25+$0x1D0] =	vst v0  }
0x48: {  	v0 =	vld [tilespmem:s28+$0x50];
	v7 =	vmul.f32 $1.131370830e+01, v7;
	[tilespmem:s25+$0x1E0] =	vst v1  }
0x49: {  	v1 =	vmul.f32 $1.131370830e+01, v5;
	v5 =	vld [tilespmem:s28+$0x60];
	[tilespmem:s25+$0x0] =	vst v4;
	s25 =	smov.u32 s28  }
0x4a: {  	v4 =	vmul.f32 $1.131370830e+01, v6;
	v6 =	vld [tilespmem:s28+$0x70];
	[tilespmem:s28+$0x1F0] =	vst v7  }
0x4b: {  	[tilespmem:s28+$0x10] =	vst v1;
	v1 =	vmul.f32 $1.131370830e+01, v2;
	v2 =	vld [tilespmem:s28+$0x80]  }
0x4c: {  	[tilespmem:s28+$0x20] =	vst v4;
	v3 =	vmul.f32 $1.131370830e+01, v3;
	v4 =	vld [tilespmem:s28+$0x90]  }
0x4d: {  	[tilespmem:s28+$0x30] =	vst v1;
	v0 =	vmul.f32 $1.131370830e+01, v0;
	v1 =	vld [tilespmem:s28+$0xA0]  }
0x4e: {  	[tilespmem:s28+$0x40] =	vst v3;
	v3 =	vmul.f32 $1.131370830e+01, v5;
	v5 =	vld [tilespmem:s28+$0xB0]  }
0x4f: {  	[tilespmem:s28+$0x50] =	vst v0;
	v0 =	vmul.f32 $1.131370830e+01, v6;
	v6 =	vld [tilespmem:s28+$0xC0]  }
0x50: {  	[tilespmem:s28+$0x60] =	vst v3;
	v2 =	vmul.f32 $1.131370830e+01, v2;
	v3 =	vld [tilespmem:s28+$0xD0]  }
0x51: {  	[tilespmem:s28+$0x70] =	vst v0;
	v0 =	vmul.f32 $1.131370830e+01, v4;
	v4 =	vld [tilespmem:s28+$0xE0]  }
0x52: {  	[tilespmem:s28+$0x80] =	vst v2;
	v1 =	vmul.f32 $1.131370830e+01, v1;
	v2 =	vld [tilespmem:s28+$0xF0]  }
0x53: {  	[tilespmem:s28+$0x90] =	vst v0;
	v0 =	vmul.f32 $1.131370830e+01, v5;
	v5 =	vld [tilespmem:s28+$0x100]  }
0x54: {  	[tilespmem:s28+$0xA0] =	vst v1;
	v1 =	vmul.f32 $1.131370830e+01, v6;
	v6 =	vld [tilespmem:s28+$0x110]  }
0x55: {  	[tilespmem:s28+$0xB0] =	vst v0;
	v0 =	vmul.f32 $1.131370830e+01, v3;
	v3 =	vld [tilespmem:s28+$0x120]  }
0x56: {  	[tilespmem:s28+$0xC0] =	vst v1;
	v1 =	vmul.f32 $1.131370830e+01, v4;
	v4 =	vld [tilespmem:s28+$0x130]  }
0x57: {  	[tilespmem:s28+$0xD0] =	vst v0;
	v0 =	vmul.f32 $1.131370830e+01, v2;
	v2 =	vld [tilespmem:s28+$0x140]  }
0x58: {  	[tilespmem:s28+$0xE0] =	vst v1;
	v1 =	vmul.f32 $1.131370830e+01, v5;
	v5 =	vld [tilespmem:s28+$0x150]  }
0x59: {  	[tilespmem:s28+$0xF0] =	vst v0;
	v0 =	vmul.f32 $1.131370830e+01, v6;
	v6 =	vld [tilespmem:s28+$0x160]  }
0x5a: {  	[tilespmem:s28+$0x100] =	vst v1;
	v1 =	vmul.f32 $1.131370830e+01, v3;
	v3 =	vld [tilespmem:s28+$0x170]  }
0x5b: {  	[tilespmem:s28+$0x110] =	vst v0;
	v0 =	vmul.f32 $1.131370830e+01, v4;
	v4 =	vld [tilespmem:s28+$0x180]  }
0x5c: {  	[tilespmem:s28+$0x120] =	vst v1;
	v1 =	vmul.f32 $1.131370830e+01, v2;
	v7 =	vld [tilespmem:s28+$0x190]  }
0x5d: {  	[tilespmem:s28+$0x130] =	vst v0;
	v2 =	vmul.f32 $1.131370830e+01, v5;
	v8 =	vld [tilespmem:s28+$0x1A0]  }
.Ltmp1:
0x5e: {  	[tilespmem:s28+$0x140] =	vst v1;
	v5 =	vmul.f32 $1.131370830e+01, v6;
	v0 =	vld [tilespmem:s28+$0x1B0];
	(pc) =	sbr.rel @p0 .LBB2_5-.Ltmp1, $4  }
0x5f: {  	[tilespmem:s28+$0x150] =	vst v2;
	v3 =	vmul.f32 $1.131370830e+01, v3;
	v1 =	vld [tilespmem:s28+$0x1C0]  }
0x60: {  	[tilespmem:s28+$0x160] =	vst v5;
	v6 =	vmul.f32 $1.131370830e+01, v4;
	v2 =	vld [tilespmem:s28+$0x1D0]  }
0x61: {  	[tilespmem:s28+$0x170] =	vst v3;
	v5 =	vmul.f32 $1.131370830e+01, v7;
	v3 =	vld [tilespmem:s28+$0x1E0]  }
0x62: {  	s28 =	sadd.s32 $0x200, s28;
	v4 =	vld [tilespmem:s25+$0x0];
	[tilespmem:s25+$0x180] =	vst v6;
	v6 =	vmul.f32 $1.131370830e+01, v8  }
0x63: {  	[tilespmem:s25+$0x190] =	vst v5;
	v0 =	vmul.f32 $1.131370830e+01, v0  }
0x64: {  	[tilespmem:s25+$0x1A0] =	vst v6;
	v1 =	vmul.f32 $1.131370830e+01, v1  }
0x65: {  	[tilespmem:s25+$0x1B0] =	vst v0;
	v61 =	vmul.f32 $1.131370830e+01, v2  }
0x66: {  	s26 =	sshll.u32 s23, $0xD;
	[tilespmem:s25+$0x1C0] =	vst v1;
	v62 =	vmul.f32 $1.131370830e+01, v3  }
0x67: {  	s26 =	sadd.s32 s9, s26;
	v63 =	vmul.f32 $1.131370830e+01, v4;
	[tilespmem:s25+$0x1D0] =	vst v61  }
0x68: {  	s26 =	sand.u32 $0x1FFFF000, s26;
	[tilespmem:s25+$0x1E0] =	vst v62  }
.Ltmp2:
0x69: {  	s31 =	sadd.s32 s3, s26;
	[tilespmem:s25+$0x0] =	vst v63;
	(pc) =	sbr.rel .LBB2_7-.Ltmp2, $4  }
0x6a: {  	[hbm4b:s31+s4] =	stream.linear.scatter [tilespmem:s14], [sflag:$0x6], $0x8000, $0x38;
	[tilespmem:$0x16400] =	vst v63  }
0x6b: {  	_ =	swait.ge [sflag:s21], $0x8000  }
0x6c: {  	[sflag:s21] =	ssyncset.done $0x0  }
0x6d: {  	s24 =	sor.u32 $0x400, s24;
	[sflag:s21] =	ssyncadd.s32 $0xFFFF8000  }
.LBB2_3:
0x6e: {  	[tilespmem:s12], [sflag:$0x1] =	stream.indirect.gather [hbm4b:s1+s11], $0x80, s4, s11, $0xb8;
	[tilespmem:$0x16400] =	vst v63  }
0x6f: {  	s24 =	simm.s32 $0x400  }
0x70: {  	[tilespmem:s13], [sflag:$0x2] =	stream.indirect.gather [hbm4b:s1+s11], $0x80, s11, s11, $0xb8;
	[tilespmem:$0x16400] =	vst v63  }
.LBB2_7:
0x71: {  	s24 =	sshrl.u32 s24, $0x2  }
0x72: {  	[tilespmem:s14], [sflag:$0x3] =	stream.indirect.gather [hbm4b:s1+s11], $0x80, s24, s11, $0xb8;
	[tilespmem:$0x16400] =	vst v63  }
0x73: {  	s24 =	sadd.s32 $0x80, s24  }
0x74: {  	[tilespmem:s15], [sflag:$0x4] =	stream.indirect.gather [hbm4b:s1+s11], $0x80, s24, s11, $0xb8;
	[tilespmem:$0x16400] =	vst v63  }
0x75: {  	_ =	swait.ge [sflag:s16], $0x4000  }
0x76: {  	[sflag:s16] =	ssyncset.done $0x0  }
0x77: {  	[sflag:s16] =	ssyncadd.s32 $0xFFFFC000  }
0x78: {  	_ =	swait.ge [sflag:s17], $0x4000  }
0x79: {  	[sflag:s17] =	ssyncset.done $0x0  }
0x7a: {  	s24 =	simm.s32 $0x6500;
	[sflag:s17] =	ssyncadd.s32 $0xFFFFC000  }
0x7b: {  	v0 =	vld [tilespmem:s24+$0xF0]  }
0x7c: {  	v1 =	vld [tilespmem:s24+$0xFFFFFF10]  }
0x7d: {  	v2 =	vld [tilespmem:s24+$0xFFFFFF20]  }
0x7e: {  	v3 =	vld [tilespmem:s24+$0xFFFFFF30]  }
0x7f: {  	v6 =	vld [tilespmem:s24+$0xFFFFFF60]  }
0x80: {  	v4 =	vld [tilespmem:s24+$0xFFFFFF40]  }
0x81: {  	v5 =	vld [tilespmem:s24+$0xFFFFFF50];
	v0 =	vmul.f32 $1.131370830e+01, v0  }
0x82: {  	v8 =	vld [tilespmem:s24+$0xFFFFFF80];
	v1 =	vmul.f32 $1.131370830e+01, v1  }
0x83: {  	v7 =	vld [tilespmem:s24+$0xFFFFFF70];
	v2 =	vmul.f32 $1.131370830e+01, v2;
	[tilespmem:s24+$0xF0] =	vst v0  }
0x84: {  	v6 =	vmul.f32 $1.131370830e+01, v6;
	v0 =	vld [tilespmem:s24+$0xFFFFFF90];
	[tilespmem:s24+$0xFFFFFF10] =	vst v1  }
0x85: {  	v1 =	vmul.f32 $1.131370830e+01, v3;
	v3 =	vld [tilespmem:s24+$0xFFFFFFA0];
	[tilespmem:s24+$0xFFFFFF20] =	vst v2;
	v2 =	vmul.f32 $1.131370830e+01, v4  }
0x86: {  	[tilespmem:s24+$0xFFFFFF60] =	vst v6;
	v6 =	vld [tilespmem:s24+$0xFFFFFFF0]  }
0x87: {  	v4 =	vld [tilespmem:s24+$0xFFFFFFB0];
	[tilespmem:s24+$0xFFFFFF40] =	vst v2;
	v2 =	vmul.f32 $1.131370830e+01, v8  }
0x88: {  	[tilespmem:s24+$0xFFFFFF30] =	vst v1;
	v1 =	vmul.f32 $1.131370830e+01, v5;
	v5 =	vld [tilespmem:s24+$0xFFFFFFC0]  }
0x89: {  	v8 =	vld [tilespmem:s24+$0xFFFFFFD0];
	[tilespmem:s24+$0xFFFFFF80] =	vst v2;
	v2 =	vmul.f32 $1.131370830e+01, v7  }
0x8a: {  	[tilespmem:s24+$0xFFFFFF50] =	vst v1;
	v1 =	vld [tilespmem:s24+$0xFFFFFFE0];
	v0 =	vmul.f32 $1.131370830e+01, v0  }
0x8b: {  	v7 =	vld [tilespmem:s24+$0x30];
	v6 =	vmul.f32 $1.131370830e+01, v6;
	[tilespmem:s24+$0xFFFFFF70] =	vst v2  }
0x8c: {  	v2 =	vmul.f32 $1.131370830e+01, v3;
	v3 =	vld [tilespmem:s24+$0x0];
	[tilespmem:s24+$0xFFFFFF90] =	vst v0  }
0x8d: {  	v0 =	vmul.f32 $1.131370830e+01, v4;
	v4 =	vld [tilespmem:s24+$0x10];
	[tilespmem:s24+$0xFFFFFFF0] =	vst v6  }
0x8e: {  	[tilespmem:s24+$0xFFFFFFA0] =	vst v2;
	v2 =	vmul.f32 $1.131370830e+01, v5;
	v5 =	vld [tilespmem:s24+$0x20]  }
0x8f: {  	v6 =	vld [tilespmem:s24+$0x80];
	[tilespmem:s24+$0xFFFFFFB0] =	vst v0;
	v0 =	vmul.f32 $1.131370830e+01, v8  }
0x90: {  	v1 =	vmul.f32 $1.131370830e+01, v1;
	[tilespmem:s24+$0xFFFFFFC0] =	vst v2;
	v2 =	vld [tilespmem:s24+$0x40]  }
0x91: {  	[tilespmem:s24+$0xFFFFFFD0] =	vst v0;
	v0 =	vmul.f32 $1.131370830e+01, v3  }
0x92: {  	v3 =	vld [tilespmem:s24+$0x50];
	[tilespmem:s24+$0xFFFFFFE0] =	vst v1;
	v4 =	vmul.f32 $1.131370830e+01, v4  }
0x93: {  	v1 =	vld [tilespmem:s24+$0x60];
	[tilespmem:s24+$0x0] =	vst v0;
	v0 =	vmul.f32 $1.131370830e+01, v5  }
0x94: {  	v6 =	vmul.f32 $1.131370830e+01, v6;
	v5 =	vld [tilespmem:s24+$0x70];
	[tilespmem:s24+$0x10] =	vst v4  }
0x95: {  	v4 =	vmul.f32 $1.131370830e+01, v7;
	v7 =	vld [tilespmem:s24+$0x90];
	[tilespmem:s24+$0x20] =	vst v0;
	v0 =	vmul.f32 $1.131370830e+01, v2  }
0x96: {  	v8 =	vld [tilespmem:s24+$0xA0];
	[tilespmem:s24+$0x80] =	vst v6  }
0x97: {  	v2 =	vmul.f32 $1.131370830e+01, v3;
	[tilespmem:s24+$0x40] =	vst v0;
	v0 =	vld [tilespmem:s24+$0xB0]  }
0x98: {  	[tilespmem:s24+$0x30] =	vst v4;
	v3 =	vmul.f32 $1.131370830e+01, v1;
	v1 =	vld [tilespmem:s24+$0xC0]  }
0x99: {  	[tilespmem:s24+$0x50] =	vst v2;
	v4 =	vmul.f32 $1.131370830e+01, v5;
	v2 =	vld [tilespmem:s24+$0xD0]  }
0x9a: {  	[tilespmem:s24+$0x60] =	vst v3;
	v3 =	vld [tilespmem:s24+$0xE0];
	v5 =	vmul.f32 $1.131370830e+01, v7  }
0x9b: {  	s25 =	simm.s32 $0x0;
	s26 =	simm.s32 $0x6700;
	v6 =	vmul.f32 $1.131370830e+01, v8;
	[tilespmem:s24+$0x70] =	vst v4;
	v4 =	vld [tilespmem:s24+$0xFFFFFF00]  }
.LBB2_8:
0x9c: {  	v7 =	vld [tilespmem:s26+$0xF0];
	s25 =	sadd.s32 $0x4, s25;
	[tilespmem:s24+$0x90] =	vst v5;
	v0 =	vmul.f32 $1.131370830e+01, v0  }
0x9d: {  	v5 =	vld [tilespmem:s26+$0xFFFFFF10];
	p0 =	slt.u32 s25, $0xFC;
	[tilespmem:s24+$0xA0] =	vst v6;
	v1 =	vmul.f32 $1.131370830e+01, v1  }
0x9e: {  	v6 =	vld [tilespmem:s26+$0xFFFFFF20];
	[tilespmem:s24+$0xB0] =	vst v0;
	v0 =	vmul.f32 $1.131370830e+01, v2  }
0x9f: {  	v2 =	vld [tilespmem:s26+$0xFFFFFF30];
	[tilespmem:s24+$0xC0] =	vst v1;
	v1 =	vmul.f32 $1.131370830e+01, v3  }
0xa0: {  	v3 =	vld [tilespmem:s26+$0xFFFFFF40];
	v4 =	vmul.f32 $1.131370830e+01, v4;
	[tilespmem:s24+$0xD0] =	vst v0  }
0xa1: {  	v0 =	vld [tilespmem:s26+$0xFFFFFF50];
	v7 =	vmul.f32 $1.131370830e+01, v7;
	[tilespmem:s24+$0xE0] =	vst v1  }
0xa2: {  	v1 =	vmul.f32 $1.131370830e+01, v5;
	v5 =	vld [tilespmem:s26+$0xFFFFFF60];
	[tilespmem:s24+$0xFFFFFF00] =	vst v4;
	s24 =	smov.u32 s26  }
0xa3: {  	v4 =	vmul.f32 $1.131370830e+01, v6;
	v6 =	vld [tilespmem:s26+$0xFFFFFF70];
	[tilespmem:s26+$0xF0] =	vst v7  }
0xa4: {  	[tilespmem:s26+$0xFFFFFF10] =	vst v1;
	v1 =	vmul.f32 $1.131370830e+01, v2;
	v2 =	vld [tilespmem:s26+$0xFFFFFF80]  }
0xa5: {  	[tilespmem:s26+$0xFFFFFF20] =	vst v4;
	v3 =	vmul.f32 $1.131370830e+01, v3;
	v4 =	vld [tilespmem:s26+$0xFFFFFF90]  }
0xa6: {  	[tilespmem:s26+$0xFFFFFF30] =	vst v1;
	v0 =	vmul.f32 $1.131370830e+01, v0;
	v1 =	vld [tilespmem:s26+$0xFFFFFFA0]  }
0xa7: {  	[tilespmem:s26+$0xFFFFFF40] =	vst v3;
	v3 =	vmul.f32 $1.131370830e+01, v5;
	v5 =	vld [tilespmem:s26+$0xFFFFFFB0]  }
0xa8: {  	[tilespmem:s26+$0xFFFFFF50] =	vst v0;
	v0 =	vmul.f32 $1.131370830e+01, v6;
	v6 =	vld [tilespmem:s26+$0xFFFFFFC0]  }
0xa9: {  	[tilespmem:s26+$0xFFFFFF60] =	vst v3;
	v2 =	vmul.f32 $1.131370830e+01, v2;
	v3 =	vld [tilespmem:s26+$0xFFFFFFD0]  }
0xaa: {  	[tilespmem:s26+$0xFFFFFF70] =	vst v0;
	v0 =	vmul.f32 $1.131370830e+01, v4;
	v4 =	vld [tilespmem:s26+$0xFFFFFFE0]  }
0xab: {  	[tilespmem:s26+$0xFFFFFF80] =	vst v2;
	v1 =	vmul.f32 $1.131370830e+01, v1;
	v2 =	vld [tilespmem:s26+$0xFFFFFFF0]  }
0xac: {  	[tilespmem:s26+$0xFFFFFF90] =	vst v0;
	v0 =	vmul.f32 $1.131370830e+01, v5;
	v5 =	vld [tilespmem:s26+$0x0]  }
0xad: {  	[tilespmem:s26+$0xFFFFFFA0] =	vst v1;
	v1 =	vmul.f32 $1.131370830e+01, v6;
	v6 =	vld [tilespmem:s26+$0x10]  }
0xae: {  	[tilespmem:s26+$0xFFFFFFB0] =	vst v0;
	v0 =	vmul.f32 $1.131370830e+01, v3;
	v3 =	vld [tilespmem:s26+$0x20]  }
0xaf: {  	[tilespmem:s26+$0xFFFFFFC0] =	vst v1;
	v1 =	vmul.f32 $1.131370830e+01, v4;
	v4 =	vld [tilespmem:s26+$0x30]  }
0xb0: {  	[tilespmem:s26+$0xFFFFFFD0] =	vst v0;
	v0 =	vmul.f32 $1.131370830e+01, v2;
	v2 =	vld [tilespmem:s26+$0x40]  }
0xb1: {  	[tilespmem:s26+$0xFFFFFFE0] =	vst v1;
	v1 =	vmul.f32 $1.131370830e+01, v5;
	v5 =	vld [tilespmem:s26+$0x50]  }
0xb2: {  	[tilespmem:s26+$0xFFFFFFF0] =	vst v0;
	v0 =	vmul.f32 $1.131370830e+01, v6;
	v6 =	vld [tilespmem:s26+$0x60]  }
0xb3: {  	[tilespmem:s26+$0x0] =	vst v1;
	v1 =	vmul.f32 $1.131370830e+01, v3;
	v3 =	vld [tilespmem:s26+$0x70]  }
0xb4: {  	[tilespmem:s26+$0x10] =	vst v0;
	v0 =	vmul.f32 $1.131370830e+01, v4;
	v4 =	vld [tilespmem:s26+$0x80]  }
0xb5: {  	[tilespmem:s26+$0x20] =	vst v1;
	v1 =	vmul.f32 $1.131370830e+01, v2;
	v7 =	vld [tilespmem:s26+$0x90]  }
0xb6: {  	[tilespmem:s26+$0x30] =	vst v0;
	v2 =	vmul.f32 $1.131370830e+01, v5;
	v8 =	vld [tilespmem:s26+$0xA0]  }
.Ltmp3:
0xb7: {  	[tilespmem:s26+$0x40] =	vst v1;
	v5 =	vmul.f32 $1.131370830e+01, v6;
	v0 =	vld [tilespmem:s26+$0xB0];
	(pc) =	sbr.rel @p0 .LBB2_8-.Ltmp3, $4  }
0xb8: {  	[tilespmem:s26+$0x50] =	vst v2;
	v3 =	vmul.f32 $1.131370830e+01, v3;
	v1 =	vld [tilespmem:s26+$0xC0]  }
0xb9: {  	[tilespmem:s26+$0x60] =	vst v5;
	v6 =	vmul.f32 $1.131370830e+01, v4;
	v2 =	vld [tilespmem:s26+$0xD0]  }
0xba: {  	[tilespmem:s26+$0x70] =	vst v3;
	v5 =	vmul.f32 $1.131370830e+01, v7;
	v3 =	vld [tilespmem:s26+$0xE0]  }
0xbb: {  	s26 =	sadd.s32 $0x200, s26;
	v4 =	vld [tilespmem:s24+$0xFFFFFF00];
	[tilespmem:s24+$0x80] =	vst v6;
	v6 =	vmul.f32 $1.131370830e+01, v8  }
0xbc: {  	[tilespmem:s24+$0x90] =	vst v5;
	v0 =	vmul.f32 $1.131370830e+01, v0  }
0xbd: {  	s25 =	sshll.u32 s23, $0x10;
	s23 =	sadd.s32 $0x1, s23;
	[tilespmem:s24+$0xA0] =	vst v6;
	v1 =	vmul.f32 $1.131370830e+01, v1  }
0xbe: {  	p0 =	sne.s32 s23, $0x32;
	[tilespmem:s24+$0xB0] =	vst v0;
	v61 =	vmul.f32 $1.131370830e+01, v2  }
.Ltmp4:
0xbf: {  	[tilespmem:s24+$0xC0] =	vst v1;
	v62 =	vmul.f32 $1.131370830e+01, v3;
	(pc) =	sbr.rel @p0 .LBB2_2-.Ltmp4, $4  }
0xc0: {  	s25 =	sadd.s32 s5, s25;
	v63 =	vmul.f32 $1.131370830e+01, v4;
	[tilespmem:s24+$0xD0] =	vst v61  }
0xc1: {  	s25 =	sshrl.u32 s25, $0x3;
	[tilespmem:s24+$0xE0] =	vst v62  }
0xc2: {  	s31 =	sadd.s32 s3, s25;
	[tilespmem:s24+$0xFFFFFF00] =	vst v63  }
0xc3: {  	[hbm4b:s31+s4] =	stream.linear.scatter [tilespmem:s12], [sflag:$0x5], $0x8000, $0x38;
	[tilespmem:$0x16400] =	vst v63  }
0xc4: {  	_ =	swait.ge [sflag:s18], $0x4000  }
0xc5: {  	[sflag:s18] =	ssyncset.done $0x0  }
0xc6: {  	[sflag:s18] =	ssyncadd.s32 $0xFFFFC000  }
0xc7: {  	_ =	swait.ge [sflag:s19], $0x4000  }
0xc8: {  	[sflag:s19] =	ssyncset.done $0x0  }
0xc9: {  	s23 =	simm.s32 $0xE400;
	[sflag:s19] =	ssyncadd.s32 $0xFFFFC000  }
0xca: {  	v0 =	vld [tilespmem:s23+$0x1F0]  }
0xcb: {  	v1 =	vld [tilespmem:s23+$0x10]  }
0xcc: {  	v2 =	vld [tilespmem:s23+$0x20]  }
0xcd: {  	v3 =	vld [tilespmem:s23+$0x30]  }
0xce: {  	v6 =	vld [tilespmem:s23+$0x60]  }
0xcf: {  	v4 =	vld [tilespmem:s23+$0x40]  }
0xd0: {  	v5 =	vld [tilespmem:s23+$0x50];
	v0 =	vmul.f32 $1.131370830e+01, v0  }
0xd1: {  	v8 =	vld [tilespmem:s23+$0x80];
	v1 =	vmul.f32 $1.131370830e+01, v1  }
0xd2: {  	v7 =	vld [tilespmem:s23+$0x70];
	v2 =	vmul.f32 $1.131370830e+01, v2;
	[tilespmem:s23+$0x1F0] =	vst v0  }
0xd3: {  	v6 =	vmul.f32 $1.131370830e+01, v6;
	v0 =	vld [tilespmem:s23+$0x90];
	[tilespmem:s23+$0x10] =	vst v1  }
0xd4: {  	v1 =	vmul.f32 $1.131370830e+01, v3;
	v3 =	vld [tilespmem:s23+$0xA0];
	[tilespmem:s23+$0x20] =	vst v2;
	v2 =	vmul.f32 $1.131370830e+01, v4  }
0xd5: {  	[tilespmem:s23+$0x60] =	vst v6;
	v6 =	vld [tilespmem:s23+$0xF0]  }
0xd6: {  	v4 =	vld [tilespmem:s23+$0xB0];
	[tilespmem:s23+$0x40] =	vst v2;
	v2 =	vmul.f32 $1.131370830e+01, v8  }
0xd7: {  	[tilespmem:s23+$0x30] =	vst v1;
	v1 =	vmul.f32 $1.131370830e+01, v5;
	v5 =	vld [tilespmem:s23+$0xC0]  }
0xd8: {  	v8 =	vld [tilespmem:s23+$0xD0];
	[tilespmem:s23+$0x80] =	vst v2;
	v2 =	vmul.f32 $1.131370830e+01, v7  }
0xd9: {  	[tilespmem:s23+$0x50] =	vst v1;
	v1 =	vld [tilespmem:s23+$0xE0];
	v0 =	vmul.f32 $1.131370830e+01, v0  }
0xda: {  	v7 =	vld [tilespmem:s23+$0x130];
	v6 =	vmul.f32 $1.131370830e+01, v6;
	[tilespmem:s23+$0x70] =	vst v2  }
0xdb: {  	v2 =	vmul.f32 $1.131370830e+01, v3;
	v3 =	vld [tilespmem:s23+$0x100];
	[tilespmem:s23+$0x90] =	vst v0  }
0xdc: {  	v0 =	vmul.f32 $1.131370830e+01, v4;
	v4 =	vld [tilespmem:s23+$0x110];
	[tilespmem:s23+$0xF0] =	vst v6  }
0xdd: {  	[tilespmem:s23+$0xA0] =	vst v2;
	v2 =	vmul.f32 $1.131370830e+01, v5;
	v5 =	vld [tilespmem:s23+$0x120]  }
0xde: {  	v6 =	vld [tilespmem:s23+$0x180];
	[tilespmem:s23+$0xB0] =	vst v0;
	v0 =	vmul.f32 $1.131370830e+01, v8  }
0xdf: {  	v1 =	vmul.f32 $1.131370830e+01, v1;
	[tilespmem:s23+$0xC0] =	vst v2;
	v2 =	vld [tilespmem:s23+$0x140]  }
0xe0: {  	[tilespmem:s23+$0xD0] =	vst v0;
	v0 =	vmul.f32 $1.131370830e+01, v3  }
0xe1: {  	v3 =	vld [tilespmem:s23+$0x150];
	[tilespmem:s23+$0xE0] =	vst v1;
	v4 =	vmul.f32 $1.131370830e+01, v4  }
0xe2: {  	v1 =	vld [tilespmem:s23+$0x160];
	[tilespmem:s23+$0x100] =	vst v0;
	v0 =	vmul.f32 $1.131370830e+01, v5  }
0xe3: {  	v6 =	vmul.f32 $1.131370830e+01, v6;
	v5 =	vld [tilespmem:s23+$0x170];
	[tilespmem:s23+$0x110] =	vst v4  }
0xe4: {  	v4 =	vmul.f32 $1.131370830e+01, v7;
	v7 =	vld [tilespmem:s23+$0x190];
	[tilespmem:s23+$0x120] =	vst v0;
	v0 =	vmul.f32 $1.131370830e+01, v2  }
0xe5: {  	v8 =	vld [tilespmem:s23+$0x1A0];
	[tilespmem:s23+$0x180] =	vst v6  }
0xe6: {  	v2 =	vmul.f32 $1.131370830e+01, v3;
	[tilespmem:s23+$0x140] =	vst v0;
	v0 =	vld [tilespmem:s23+$0x1B0]  }
0xe7: {  	[tilespmem:s23+$0x130] =	vst v4;
	v3 =	vmul.f32 $1.131370830e+01, v1;
	v1 =	vld [tilespmem:s23+$0x1C0]  }
0xe8: {  	[tilespmem:s23+$0x150] =	vst v2;
	v4 =	vmul.f32 $1.131370830e+01, v5;
	v2 =	vld [tilespmem:s23+$0x1D0]  }
0xe9: {  	[tilespmem:s23+$0x160] =	vst v3;
	v3 =	vld [tilespmem:s23+$0x1E0];
	v5 =	vmul.f32 $1.131370830e+01, v7  }
0xea: {  	s24 =	simm.s32 $0x0;
	s25 =	simm.s32 $0xE600;
	v6 =	vmul.f32 $1.131370830e+01, v8;
	[tilespmem:s23+$0x170] =	vst v4;
	v4 =	vld [tilespmem:s23+$0x0]  }
.LBB2_11:
0xeb: {  	v7 =	vld [tilespmem:s25+$0x1F0];
	s24 =	sadd.s32 $0x4, s24;
	[tilespmem:s23+$0x190] =	vst v5;
	v0 =	vmul.f32 $1.131370830e+01, v0  }
0xec: {  	v5 =	vld [tilespmem:s25+$0x10];
	p0 =	slt.u32 s24, $0xFC;
	[tilespmem:s23+$0x1A0] =	vst v6;
	v1 =	vmul.f32 $1.131370830e+01, v1  }
0xed: {  	v6 =	vld [tilespmem:s25+$0x20];
	[tilespmem:s23+$0x1B0] =	vst v0;
	v0 =	vmul.f32 $1.131370830e+01, v2  }
0xee: {  	v2 =	vld [tilespmem:s25+$0x30];
	[tilespmem:s23+$0x1C0] =	vst v1;
	v1 =	vmul.f32 $1.131370830e+01, v3  }
0xef: {  	v3 =	vld [tilespmem:s25+$0x40];
	v4 =	vmul.f32 $1.131370830e+01, v4;
	[tilespmem:s23+$0x1D0] =	vst v0  }
0xf0: {  	v0 =	vld [tilespmem:s25+$0x50];
	v7 =	vmul.f32 $1.131370830e+01, v7;
	[tilespmem:s23+$0x1E0] =	vst v1  }
0xf1: {  	v1 =	vmul.f32 $1.131370830e+01, v5;
	v5 =	vld [tilespmem:s25+$0x60];
	[tilespmem:s23+$0x0] =	vst v4;
	s23 =	smov.u32 s25  }
0xf2: {  	v4 =	vmul.f32 $1.131370830e+01, v6;
	v6 =	vld [tilespmem:s25+$0x70];
	[tilespmem:s25+$0x1F0] =	vst v7  }
0xf3: {  	[tilespmem:s25+$0x10] =	vst v1;
	v1 =	vmul.f32 $1.131370830e+01, v2;
	v2 =	vld [tilespmem:s25+$0x80]  }
0xf4: {  	[tilespmem:s25+$0x20] =	vst v4;
	v3 =	vmul.f32 $1.131370830e+01, v3;
	v4 =	vld [tilespmem:s25+$0x90]  }
0xf5: {  	[tilespmem:s25+$0x30] =	vst v1;
	v0 =	vmul.f32 $1.131370830e+01, v0;
	v1 =	vld [tilespmem:s25+$0xA0]  }
0xf6: {  	[tilespmem:s25+$0x40] =	vst v3;
	v3 =	vmul.f32 $1.131370830e+01, v5;
	v5 =	vld [tilespmem:s25+$0xB0]  }
0xf7: {  	[tilespmem:s25+$0x50] =	vst v0;
	v0 =	vmul.f32 $1.131370830e+01, v6;
	v6 =	vld [tilespmem:s25+$0xC0]  }
0xf8: {  	[tilespmem:s25+$0x60] =	vst v3;
	v2 =	vmul.f32 $1.131370830e+01, v2;
	v3 =	vld [tilespmem:s25+$0xD0]  }
0xf9: {  	[tilespmem:s25+$0x70] =	vst v0;
	v0 =	vmul.f32 $1.131370830e+01, v4;
	v4 =	vld [tilespmem:s25+$0xE0]  }
0xfa: {  	[tilespmem:s25+$0x80] =	vst v2;
	v1 =	vmul.f32 $1.131370830e+01, v1;
	v2 =	vld [tilespmem:s25+$0xF0]  }
0xfb: {  	[tilespmem:s25+$0x90] =	vst v0;
	v0 =	vmul.f32 $1.131370830e+01, v5;
	v5 =	vld [tilespmem:s25+$0x100]  }
0xfc: {  	[tilespmem:s25+$0xA0] =	vst v1;
	v1 =	vmul.f32 $1.131370830e+01, v6;
	v6 =	vld [tilespmem:s25+$0x110]  }
0xfd: {  	[tilespmem:s25+$0xB0] =	vst v0;
	v0 =	vmul.f32 $1.131370830e+01, v3;
	v3 =	vld [tilespmem:s25+$0x120]  }
0xfe: {  	[tilespmem:s25+$0xC0] =	vst v1;
	v1 =	vmul.f32 $1.131370830e+01, v4;
	v4 =	vld [tilespmem:s25+$0x130]  }
0xff: {  	[tilespmem:s25+$0xD0] =	vst v0;
	v0 =	vmul.f32 $1.131370830e+01, v2;
	v2 =	vld [tilespmem:s25+$0x140]  }
0x100: {  	[tilespmem:s25+$0xE0] =	vst v1;
	v1 =	vmul.f32 $1.131370830e+01, v5;
	v5 =	vld [tilespmem:s25+$0x150]  }
0x101: {  	[tilespmem:s25+$0xF0] =	vst v0;
	v0 =	vmul.f32 $1.131370830e+01, v6;
	v6 =	vld [tilespmem:s25+$0x160]  }
0x102: {  	[tilespmem:s25+$0x100] =	vst v1;
	v1 =	vmul.f32 $1.131370830e+01, v3;
	v3 =	vld [tilespmem:s25+$0x170]  }
0x103: {  	[tilespmem:s25+$0x110] =	vst v0;
	v0 =	vmul.f32 $1.131370830e+01, v4;
	v4 =	vld [tilespmem:s25+$0x180]  }
0x104: {  	[tilespmem:s25+$0x120] =	vst v1;
	v1 =	vmul.f32 $1.131370830e+01, v2;
	v7 =	vld [tilespmem:s25+$0x190]  }
0x105: {  	[tilespmem:s25+$0x130] =	vst v0;
	v2 =	vmul.f32 $1.131370830e+01, v5;
	v8 =	vld [tilespmem:s25+$0x1A0]  }
.Ltmp5:
0x106: {  	[tilespmem:s25+$0x140] =	vst v1;
	v5 =	vmul.f32 $1.131370830e+01, v6;
	v0 =	vld [tilespmem:s25+$0x1B0];
	(pc) =	sbr.rel @p0 .LBB2_11-.Ltmp5, $4  }
0x107: {  	[tilespmem:s25+$0x150] =	vst v2;
	v3 =	vmul.f32 $1.131370830e+01, v3;
	v1 =	vld [tilespmem:s25+$0x1C0]  }
0x108: {  	[tilespmem:s25+$0x160] =	vst v5;
	v6 =	vmul.f32 $1.131370830e+01, v4;
	v2 =	vld [tilespmem:s25+$0x1D0]  }
0x109: {  	[tilespmem:s25+$0x170] =	vst v3;
	v5 =	vmul.f32 $1.131370830e+01, v7;
	v3 =	vld [tilespmem:s25+$0x1E0]  }
0x10a: {  	s25 =	sadd.s32 $0x200, s25;
	v4 =	vld [tilespmem:s23+$0x0];
	[tilespmem:s23+$0x180] =	vst v6;
	v6 =	vmul.f32 $1.131370830e+01, v8  }
0x10b: {  	[tilespmem:s23+$0x190] =	vst v5;
	v0 =	vmul.f32 $1.131370830e+01, v0  }
0x10c: {  	[tilespmem:s23+$0x1A0] =	vst v6;
	v1 =	vmul.f32 $1.131370830e+01, v1  }
0x10d: {  	[tilespmem:s23+$0x1B0] =	vst v0;
	v61 =	vmul.f32 $1.131370830e+01, v2  }
0x10e: {  	[tilespmem:s23+$0x1C0] =	vst v1;
	v62 =	vmul.f32 $1.131370830e+01, v3  }
0x10f: {  	v63 =	vmul.f32 $1.131370830e+01, v4;
	[tilespmem:s23+$0x1D0] =	vst v61  }
0x110: {  	[tilespmem:s23+$0x1E0] =	vst v62  }
0x111: {  	s22 =	sadd.s32 $0x1, s22;
	[tilespmem:s23+$0x0] =	vst v63  }
0x112: {  	[hbm4b:s7+s4] =	stream.linear.scatter [tilespmem:s14], [sflag:$0x6], $0x8000, $0x38;
	[tilespmem:$0x16400] =	vst v63  }
0x113: {  	p0 =	sne.s32 s22, s8;
	_ =	swait.ge [sflag:s20], $0x8000  }
.Ltmp6:
0x114: {  	[sflag:s20] =	ssyncset.done $0x0;
	(pc) =	sbr.rel @p0 .LBB2_1-.Ltmp6, $4  }
0x115: {  	[sflag:s20] =	ssyncadd.s32 $0xFFFF8000  }
0x116: {  	_ =	swait.ge [sflag:s21], $0x8000  }
0x117: {  	[sflag:s21] =	ssyncset.done $0x0  }
0x118: {  	[sflag:s21] =	ssyncadd.s32 $0xFFFF8000  }
0x119: {  	_ =	sfence.sel $0x180000  }
0x11a: {  	[bflag:$0x0] =	sbarrier.arrive $0xFFFF  }
0x11b: {  	p0 =	sne.s32 s0, $0x0;
	_ =	strace $0x90000047  }
0x11c: {  	s0 =	sadd.s32 @!p0 $0x100000, s2;
	[bflag:$0x2] =	sbarrier.arrive $0xFFFF  }
0x11d: {  	[sflag:s0] =	ssyncadd.tile.s32 @!p0 $0x1;
	_ =	shalt  }
.Lfunc_end2:
_tile_overlayer_lowered:
.L_overlay_start_2:
0x11e: {  	(tag) =	ssettag $0x2  }
0x11f: {  	s0 =	rddreg [dreg:$0x0];
	s2 =	stileid.u32  }
0x120: {  	s1 =	rddreg [dreg:$0x1];
	p0 =	sne.s32 s2, $0x0  }
0x121: {  	s3 =	rddreg [dreg:$0x2];
	[bflag:$0x3] =	sbarrier.arrive $0xFFFF;
	s2 =	simm.s32 @!p0 $0x1C07  }
0x122: {  	[timem:s3], [sflag:s2] =	dma.local @!p0 [hbm:s0], s1  }
0x123: {  	s0 =	simm.s32 @!p0 $0x7  }
0x124: {  	_ =	swait.ge @!p0 [sflag:s0], s1  }
0x125: {  	s1 =	ssub.s32 @!p0 $0x0, s1;
	[sflag:s0] =	ssyncset.done @!p0 $0x0  }
0x126: {  	[sflag:s0] =	ssyncadd.s32 @!p0 s1  }
0x127: {  	[bflag:$0x3] =	sbarrier.arrive $0xFFFF  }
0x128: {  	_ =	shalt  }

</sc_bundles>
